<compile_context>
chip_gen: v7x
topology: tpu7x:2x2x1
jax: 0.10.2.dev20260603
libtpu: 0.0.44.dev20260713+nightly
codegen_flags: <defaults>
</compile_context>

<pallas_src>
import math

import jax
import jax.numpy as jnp
import numpy as np
from jax.experimental import pallas as pl

_BASE_SIZE, _STRIDE = 16, 16
_SCALES = (8, 16, 32)
_RATIOS = (0.5, 1, 1.5)
_NA = len(_SCALES) * len(_RATIOS)
_IM_W, _IM_H = 1024, 1024
_MIN_SIZE, _SCALE_F = 16, 1.0
_NMS_THRESH = 0.7
_PRE_NMS, _POST_NMS = 2000, 2000
_H, _W = 64, 64
_N = _H * _W * _NA
_NR, _NC = 288, 128
_PAD_N = 2048


def _anchor_params():
    cx = cy = (_BASE_SIZE - 1) / 2.0
    rows = []
    for s in _SCALES:
        for r in _RATIOS:
            w = _BASE_SIZE * s * math.sqrt(r)
            h = _BASE_SIZE * s / math.sqrt(r)
            rows.append([cx - w / 2.0, cy - h / 2.0, cx + w / 2.0, cy + h / 2.0])
    ba = np.array(rows, dtype=np.float32)
    sx = np.arange(_W, dtype=np.float32) * _STRIDE
    sy = np.arange(_H, dtype=np.float32) * _STRIDE
    SX, SY = np.meshgrid(sx, sy)
    shifts = np.stack([SX.ravel(), SY.ravel(), SX.ravel(), SY.ravel()], axis=1)
    anchors = (ba[None, :, :] + shifts[:, None, :]).reshape(-1, 4)
    aw = anchors[:, 2] - anchors[:, 0] + 1.0
    ah = anchors[:, 3] - anchors[:, 1] + 1.0
    acx = anchors[:, 0] + 0.5 * aw
    acy = anchors[:, 1] + 0.5 * ah
    return np.stack([aw, ah, acx, acy], axis=0).reshape(4, _NR, _NC)


_ANCHOR_PARAMS = _anchor_params()


def _conv1_kernel(x_ref, w_ref, b_ref, o_ref):
    acc = None
    for t in range(9):
        dy, dx = t // 3, t % 3
        win = x_ref[0, dy:dy + 64, dx:dx + 64, :].reshape(_H * _W, 256)
        p = jax.lax.dot_general(win, w_ref[t], (((1,), (0,)), ((), ())),
                                preferred_element_type=jnp.float32)
        acc = p if acc is None else acc + p
    acc = acc + b_ref[0]
    o_ref[0] = jnp.maximum(acc, 0.0).reshape(_H, _W, 256)


def _heads_kernel(x_ref, w_ref, b_ref, o_ref):
    acc = None
    for t in range(9):
        dy, dx = t // 3, t % 3
        win = x_ref[0, dy:dy + 64, dx:dx + 64, :].reshape(_H * _W, 256)
        p = jax.lax.dot_general(win, w_ref[t], (((1,), (0,)), ((), ())),
                                preferred_element_type=jnp.float32)
        acc = p if acc is None else acc + p
    acc = acc + b_ref[0]
    o_ref[0] = acc.reshape(_H, _W, 128)


def _decode_kernel(a_ref, d_ref, o_ref):
    aw, ah, acx, acy = a_ref[0], a_ref[1], a_ref[2], a_ref[3]
    dx, dy, dw, dh, sc = (d_ref[0, i] for i in range(5))
    pcx = dx * aw + acx
    pcy = dy * ah + acy
    pw = jnp.exp(dw) * aw
    ph = jnp.exp(dh) * ah
    x1 = jnp.clip(pcx - 0.5 * pw, 0.0, _IM_W - 1.0)
    y1 = jnp.clip(pcy - 0.5 * ph, 0.0, _IM_H - 1.0)
    x2 = jnp.clip(pcx + 0.5 * pw, 0.0, _IM_W - 1.0)
    y2 = jnp.clip(pcy + 0.5 * ph, 0.0, _IM_H - 1.0)
    w = x2 - x1 + 1.0
    h = y2 - y1 + 1.0
    valid = jnp.logical_and(w >= _MIN_SIZE * _SCALE_F, h >= _MIN_SIZE * _SCALE_F)
    keys = jnp.where(valid, -sc, jnp.inf)
    nv = jnp.sum(valid.astype(jnp.float32))
    o_ref[0, 0] = x1
    o_ref[0, 1] = y1
    o_ref[0, 2] = x2
    o_ref[0, 3] = y2
    o_ref[0, 4] = keys
    o_ref[0, 5] = jnp.full((_NR, _NC), nv, dtype=jnp.float32)


def _nms_kernel(b_ref, o_ref):
    x1, y1, x2, y2, ck = (b_ref[0, i] for i in range(5))
    areas = (x2 - x1 + 1.0) * (y2 - y1 + 1.0)
    rows = jax.lax.broadcasted_iota(jnp.int32, (8, 256), 0)
    cols = jax.lax.broadcasted_iota(jnp.int32, (8, 256), 1)
    idx = rows * 256 + cols
    supp0 = 1.0 - ck
    keep0 = jnp.zeros((8, 256), jnp.float32)

    def body(i, carry):
        supp, keep = carry
        one = idx == i
        alive = 1.0 - jnp.sum(jnp.where(one, supp, 0.0))
        x1i = jnp.sum(jnp.where(one, x1, 0.0))
        y1i = jnp.sum(jnp.where(one, y1, 0.0))
        x2i = jnp.sum(jnp.where(one, x2, 0.0))
        y2i = jnp.sum(jnp.where(one, y2, 0.0))
        ai = jnp.sum(jnp.where(one, areas, 0.0))
        keep = jnp.where(one, alive, keep)
        xx1 = jnp.maximum(x1i, x1)
        yy1 = jnp.maximum(y1i, y1)
        xx2 = jnp.minimum(x2i, x2)
        yy2 = jnp.minimum(y2i, y2)
        inter = jnp.maximum(0.0, xx2 - xx1 + 1.0) * jnp.maximum(0.0, yy2 - yy1 + 1.0)
        iou = inter / (ai + areas - inter)
        hit = jnp.logical_and(iou > _NMS_THRESH, idx > i).astype(jnp.float32)
        supp = jnp.maximum(supp, alive * hit)
        return supp, keep

    _, keep = jax.lax.fori_loop(0, _PRE_NMS, body, (supp0, keep0))
    o_ref[0, 0] = keep


def _finalize_one(keep_f, boxes_top):
    keep = keep_f > 0.5
    nk = jnp.sum(keep.astype(jnp.int32))
    pos = jnp.cumsum(keep.astype(jnp.int32)) - 1
    tgt = jnp.where(keep, pos, _PRE_NMS)
    compact = jnp.zeros((_PRE_NMS,), jnp.int32).at[tgt].set(
        jnp.arange(_PRE_NMS, dtype=jnp.int32), mode='drop')
    denom = jnp.maximum(nk, 1)
    kp = compact[jnp.arange(_POST_NMS, dtype=jnp.int32) % denom]
    g = jnp.take(boxes_top, kp, axis=0)
    return jnp.where(nk == 0, jnp.zeros_like(g), g)


def kernel(feature, conv_w, conv_b, cls_w, cls_b, reg_w, reg_b):
    bsz = feature.shape[0]

    xp = jnp.pad(jnp.transpose(feature, (0, 2, 3, 1)),
                 ((0, 0), (1, 1), (1, 1), (0, 0)))
    w1 = jnp.transpose(conv_w, (2, 3, 1, 0)).reshape(9, 256, 256)
    b1 = jnp.broadcast_to(conv_b[None, :], (8, 256))
    x = pl.pallas_call(
        _conv1_kernel,
        grid=(bsz,),
        in_specs=[
            pl.BlockSpec((1, _H + 2, _W + 2, 256), lambda b: (b, 0, 0, 0)),
            pl.BlockSpec((9, 256, 256), lambda b: (0, 0, 0)),
            pl.BlockSpec((8, 256), lambda b: (0, 0)),
        ],
        out_specs=pl.BlockSpec((1, _H, _W, 256), lambda b: (b, 0, 0, 0)),
        out_shape=jax.ShapeDtypeStruct((bsz, _H, _W, 256), jnp.float32),
    )(xp, w1, b1)

    xq = jnp.pad(x, ((0, 0), (1, 1), (1, 1), (0, 0)))
    w2 = jnp.concatenate([
        jnp.transpose(cls_w, (2, 3, 1, 0)),
        jnp.transpose(reg_w, (2, 3, 1, 0)),
    ], axis=3).reshape(9, 256, 54)
    w2 = jnp.pad(w2, ((0, 0), (0, 0), (0, 128 - 54)))
    b2 = jnp.pad(jnp.concatenate([cls_b, reg_b]), (0, 128 - 54))
    b2 = jnp.broadcast_to(b2[None, :], (8, 128))
    heads = pl.pallas_call(
        _heads_kernel,
        grid=(bsz,),
        in_specs=[
            pl.BlockSpec((1, _H + 2, _W + 2, 256), lambda b: (b, 0, 0, 0)),
            pl.BlockSpec((9, 256, 128), lambda b: (0, 0, 0)),
            pl.BlockSpec((8, 128), lambda b: (0, 0)),
        ],
        out_specs=pl.BlockSpec((1, _H, _W, 128), lambda b: (b, 0, 0, 0)),
        out_shape=jax.ShapeDtypeStruct((bsz, _H, _W, 128), jnp.float32),
    )(xq, w2, b2)

    fg = heads[..., :18].reshape(bsz, _N, 2)[:, :, 1].reshape(bsz, 1, _N)
    deltas = jnp.transpose(heads[..., 18:54].reshape(bsz, _N, 4), (0, 2, 1))
    din = jnp.concatenate([deltas, fg], axis=1).reshape(bsz, 5, _NR, _NC)
    aparams = jnp.asarray(_ANCHOR_PARAMS)

    dec = pl.pallas_call(
        _decode_kernel,
        grid=(bsz,),
        in_specs=[
            pl.BlockSpec((4, _NR, _NC), lambda b: (0, 0, 0)),
            pl.BlockSpec((1, 5, _NR, _NC), lambda b: (b, 0, 0, 0)),
        ],
        out_specs=pl.BlockSpec((1, 6, _NR, _NC), lambda b: (b, 0, 0, 0)),
        out_shape=jax.ShapeDtypeStruct((bsz, 6, _NR, _NC), jnp.float32),
    )(aparams, din)

    prop = jnp.transpose(dec[:, 0:4].reshape(bsz, 4, _N), (0, 2, 1))
    keys = dec[:, 4].reshape(bsz, _N)
    nv = dec[:, 5, 0, 0]

    _, order = jax.lax.top_k(-keys, _PRE_NMS)
    boxes_top = jnp.take_along_axis(prop, order[..., None], axis=1)
    candok = (jnp.arange(_PRE_NMS, dtype=jnp.float32)[None, :] < nv[:, None]
              ).astype(jnp.float32)

    bt = jnp.transpose(boxes_top, (0, 2, 1))
    bt = jnp.pad(bt, ((0, 0), (0, 0), (0, _PAD_N - _PRE_NMS)))
    ck = jnp.pad(candok, ((0, 0), (0, _PAD_N - _PRE_NMS)))[:, None, :]
    bin_ = jnp.concatenate([bt, ck], axis=1).reshape(bsz, 5, 8, 256)

    keep = pl.pallas_call(
        _nms_kernel,
        grid=(bsz,),
        in_specs=[pl.BlockSpec((1, 5, 8, 256), lambda b: (b, 0, 0, 0))],
        out_specs=pl.BlockSpec((1, 1, 8, 256), lambda b: (b, 0, 0, 0)),
        out_shape=jax.ShapeDtypeStruct((bsz, 1, 8, 256), jnp.float32),
    )(bin_)
    keep = keep.reshape(bsz, _PAD_N)[:, :_PRE_NMS]

    return jax.vmap(_finalize_one)(keep, boxes_top)

# --- scband reference (transcript-rebuilt; emitter-appended) ---
"""Pipeline reference for scband-rpn-77378130805374 (READ-ONLY COPY).

The authoritative reference and input builder live on the scoring server;
editing this copy changes nothing except your own understanding.
"""

import math
import jax, jax.numpy as jnp
import numpy as np

B, IN_CH, MID_CH = 2, 256, 256
H, W = 64, 64
BASE_SIZE, STRIDE = 16, 16
SCALES = [8, 16, 32]
RATIOS = [0.5, 1, 1.5]
NUM_ANCHORS = len(SCALES) * len(RATIOS)
IM_W, IM_H = 1024, 1024
MIN_SIZE, SCALE = 16, 1.0
NMS_THRESH = 0.7
PRE_NMS, POST_NMS = 2000, 2000


def _base_anchors():
    cx = cy = (BASE_SIZE - 1) / 2.0
    rows = []
    for s in SCALES:
        for r in RATIOS:
            w = BASE_SIZE * s * math.sqrt(r)
            h = BASE_SIZE * s / math.sqrt(r)
            rows.append([cx - w / 2.0, cy - h / 2.0, cx + w / 2.0, cy + h / 2.0])
    return np.array(rows, dtype=np.float32)


def _all_anchors(height, width):
    ba = _base_anchors()
    sx = np.arange(width, dtype=np.float32) * STRIDE
    sy = np.arange(height, dtype=np.float32) * STRIDE
    SX, SY = np.meshgrid(sx, sy)
    shifts = np.stack([SX.ravel(), SY.ravel(), SX.ravel(), SY.ravel()], axis=1)
    return (ba[None, :, :] + shifts[:, None, :]).reshape(-1, 4)


def _conv2d(x, w, b):
    y = jax.lax.conv_general_dilated(x, w, (1, 1), 'SAME', dimension_numbers=('NCHW', 'OIHW', 'NCHW'))
    return y + b[None, :, None, None]


def _decode(deltas, anchors):
    aw = anchors[:, 2] - anchors[:, 0] + 1.0
    ah = anchors[:, 3] - anchors[:, 1] + 1.0
    acx = anchors[:, 0] + 0.5 * aw
    acy = anchors[:, 1] + 0.5 * ah
    pcx = deltas[:, 0] * aw + acx
    pcy = deltas[:, 1] * ah + acy
    pw = jnp.exp(deltas[:, 2]) * aw
    ph = jnp.exp(deltas[:, 3]) * ah
    return jnp.stack([pcx - 0.5 * pw, pcy - 0.5 * ph, pcx + 0.5 * pw, pcy + 0.5 * ph], axis=1)


def _clamp(prop):
    x1 = jnp.clip(prop[:, 0], 0.0, IM_W - 1.0)
    y1 = jnp.clip(prop[:, 1], 0.0, IM_H - 1.0)
    x2 = jnp.clip(prop[:, 2], 0.0, IM_W - 1.0)
    y2 = jnp.clip(prop[:, 3], 0.0, IM_H - 1.0)
    return jnp.stack([x1, y1, x2, y2], axis=1)


def _nms(boxes, cand_ok, thresh):
    x1, y1, x2, y2 = boxes[:, 0], boxes[:, 1], boxes[:, 2], boxes[:, 3]
    areas = (x2 - x1 + 1.0) * (y2 - y1 + 1.0)
    n = boxes.shape[0]
    idx = jnp.arange(n)

    def body(i, carry):
        suppressed, keep_mask = carry
        alive = jnp.logical_not(suppressed[i])
        keep_mask = keep_mask.at[i].set(alive)
        xx1 = jnp.maximum(x1[i], x1)
        yy1 = jnp.maximum(y1[i], y1)
        xx2 = jnp.minimum(x2[i], x2)
        yy2 = jnp.minimum(y2[i], y2)
        inter = jnp.maximum(0.0, xx2 - xx1 + 1.0) * jnp.maximum(0.0, yy2 - yy1 + 1.0)
        iou = inter / (areas[i] + areas - inter)
        later = idx > i
        suppressed = suppressed | (alive & later & (iou > thresh))
        return suppressed, keep_mask

    suppressed0 = jnp.logical_not(cand_ok)
    keep_mask0 = jnp.zeros((n,), dtype=bool)
    _, keep_mask = jax.lax.fori_loop(0, n, body, (suppressed0, keep_mask0))
    return keep_mask


def _keep_indices(prop_np, scores_np):
    pw = prop_np[:, 2] - prop_np[:, 0] + 1.0
    ph = prop_np[:, 3] - prop_np[:, 1] + 1.0
    valid = (pw >= MIN_SIZE * SCALE) & (ph >= MIN_SIZE * SCALE)
    num_valid = jnp.sum(valid)
    keys = jnp.where(valid, -scores_np, jnp.inf)
    order = jnp.argsort(keys, stable=True)[:PRE_NMS]
    cand_ok = jnp.arange(PRE_NMS) < num_valid
    keep_mask = _nms(prop_np[order], cand_ok, NMS_THRESH)
    num_kept = jnp.sum(keep_mask)
    pos = jnp.cumsum(keep_mask) - 1
    tgt = jnp.where(keep_mask, pos, PRE_NMS)
    compact = jnp.zeros((PRE_NMS,), dtype=order.dtype).at[tgt].set(order, mode='drop')
    denom = jnp.maximum(num_kept, 1)
    kept = compact[jnp.arange(POST_NMS) % denom]
    empty = num_kept == 0
    return kept, empty


def setup_inputs(seed: int = 0):
    key = jax.random.key(seed)
    ks = jax.random.split(key, 4)
    feature = jax.random.normal(ks[0], (B, IN_CH, H, W), dtype=jnp.float32)
    conv_w = jax.random.normal(ks[1], (MID_CH, IN_CH, 3, 3), dtype=jnp.float32) * 0.02
    conv_b = jnp.zeros((MID_CH,), dtype=jnp.float32)
    cls_w = jax.random.normal(ks[2], (NUM_ANCHORS * 2, MID_CH, 3, 3), dtype=jnp.float32) * 0.02
    cls_b = jnp.zeros((NUM_ANCHORS * 2,), dtype=jnp.float32)
    reg_w = jax.random.normal(ks[3], (NUM_ANCHORS * 4, MID_CH, 3, 3), dtype=jnp.float32) * 0.01
    reg_b = jnp.zeros((NUM_ANCHORS * 4,), dtype=jnp.float32)
    return {"feature": feature, "conv_w": conv_w, "conv_b": conv_b, "cls_w": cls_w, "cls_b": cls_b, "reg_w": reg_w, "reg_b": reg_b}


def reference(feature, conv_w, conv_b, cls_w, cls_b, reg_w, reg_b):
    x = jax.nn.relu(_conv2d(feature, conv_w, conv_b))
    cls = _conv2d(x, cls_w, cls_b)
    reg = _conv2d(x, reg_w, reg_b)
    bsz = feature.shape[0]
    cls_score = jnp.transpose(cls, (0, 2, 3, 1)).reshape(bsz, -1, 2)
    reg_logits = jnp.transpose(reg, (0, 2, 3, 1)).reshape(bsz, -1, 4)
    anchors = jnp.asarray(_all_anchors(feature.shape[2], feature.shape[3]))
    outs = []
    for i in range(bsz):
        prop = _clamp(_decode(reg_logits[i], anchors))
        kept, empty = _keep_indices(prop, cls_score[i, :, 1])
        gathered = jnp.take(prop, kept, axis=0)
        outs.append(jnp.where(empty, jnp.zeros((POST_NMS, 4), dtype=jnp.float32), gathered))
    return jnp.stack(outs, axis=0)

if __name__ == "__main__":
    import jax
    _d = setup_inputs()
    print(jax.jit(kernel)(*tuple(_d.values())))

</pallas_src>

<mosaic_0001>
module attributes {stable_mosaic.version = 14 : i64} {
  func.func @_conv1_kernel(%arg0: i32, %arg1: memref<1x66x66x256xf32, #tpu.memory_space<vmem>>, %arg2: memref<9x256x256xf32, #tpu.memory_space<vmem>>, %arg3: memref<8x256xf32, #tpu.memory_space<vmem>>, %arg4: memref<1x64x64x256xf32, #tpu.memory_space<vmem>>) attributes {dimension_semantics = [#tpu.dimension_semantics<arbitrary>], iteration_bounds = array<i64: 2>, scalar_prefetch = 0 : i64, scratch_operands = 0 : i64, tpu.core_type = #tpu.core_type<tc>, window_params = [{transform_indices = @transform_0, window_bounds = array<i64: 1, 66, 66, 256>}, {pipeline_mode = #tpu.pipeline_mode<synchronous>, transform_indices = @transform_1, window_bounds = array<i64: 9, 256, 256>}, {pipeline_mode = #tpu.pipeline_mode<synchronous>, transform_indices = @transform_2, window_bounds = array<i64: 8, 256>}, {transform_indices = @transform_3, window_bounds = array<i64: 1, 64, 64, 256>}]} {
    %get3A = arith.constant 0 : index
    %get3A_0 = arith.constant 0 : index
    %get3A_1 = arith.constant 0 : index
    %get3A_2 = arith.constant 0 : index
    %get3A_3 = vector.load %arg1[%get3A, %get3A_0, %get3A_1, %get3A_2] : memref<1x66x66x256xf32, #tpu.memory_space<vmem>>, vector<1x64x64x256xf32>
    %get3A_4 = vector.shape_cast %get3A_3 : vector<1x64x64x256xf32> to vector<64x64x256xf32>
    %reshape3A = vector.shape_cast %get3A_4 : vector<64x64x256xf32> to vector<4096x256xf32>
    %get3A_5 = arith.constant 0 : index
    %get3A_6 = arith.constant 0 : index
    %get3A_7 = arith.constant 0 : index
    %get3A_8 = vector.load %arg2[%get3A_5, %get3A_6, %get3A_7] : memref<9x256x256xf32, #tpu.memory_space<vmem>>, vector<1x256x256xf32>
    %get3A_9 = vector.shape_cast %get3A_8 : vector<1x256x256xf32> to vector<256x256xf32>
    %dot_general3A = arith.constant dense<0.000000e+00> : vector<4096x256xf32>
    %dot_general3A_10 = tpu.matmul %reshape3A, %get3A_9, %dot_general3A {dimension_numbers = #tpu.dot_dimension_numbers<[1], [0], [0], [1], [0, 0, 1, 1], [], []>, transpose_lhs_hint = false} : vector<4096x256xf32>, vector<256x256xf32>, vector<4096x256xf32> -> vector<4096x256xf32>
    %get3A_11 = arith.constant 0 : index
    %get3A_12 = arith.constant 0 : index
    %get3A_13 = arith.constant 1 : index
    %get3A_14 = arith.constant 0 : index
    %get3A_15 = vector.load %arg1[%get3A_11, %get3A_12, %get3A_13, %get3A_14] : memref<1x66x66x256xf32, #tpu.memory_space<vmem>>, vector<1x64x64x256xf32>
    %get3A_16 = vector.shape_cast %get3A_15 : vector<1x64x64x256xf32> to vector<64x64x256xf32>
    %reshape3A_17 = vector.shape_cast %get3A_16 : vector<64x64x256xf32> to vector<4096x256xf32>
    %get3A_18 = arith.constant 1 : index
    %get3A_19 = arith.constant 0 : index
    %get3A_20 = arith.constant 0 : index
    %get3A_21 = vector.load %arg2[%get3A_18, %get3A_19, %get3A_20] : memref<9x256x256xf32, #tpu.memory_space<vmem>>, vector<1x256x256xf32>
    %get3A_22 = vector.shape_cast %get3A_21 : vector<1x256x256xf32> to vector<256x256xf32>
    %dot_general3A_23 = arith.constant dense<0.000000e+00> : vector<4096x256xf32>
    %dot_general3A_24 = tpu.matmul %reshape3A_17, %get3A_22, %dot_general3A_23 {dimension_numbers = #tpu.dot_dimension_numbers<[1], [0], [0], [1], [0, 0, 1, 1], [], []>, transpose_lhs_hint = false} : vector<4096x256xf32>, vector<256x256xf32>, vector<4096x256xf32> -> vector<4096x256xf32>
    %add3A = arith.addf %dot_general3A_10, %dot_general3A_24 : vector<4096x256xf32>
    %get3A_25 = arith.constant 0 : index
    %get3A_26 = arith.constant 0 : index
    %get3A_27 = arith.constant 2 : index
    %get3A_28 = arith.constant 0 : index
    %get3A_29 = vector.load %arg1[%get3A_25, %get3A_26, %get3A_27, %get3A_28] : memref<1x66x66x256xf32, #tpu.memory_space<vmem>>, vector<1x64x64x256xf32>
    %get3A_30 = vector.shape_cast %get3A_29 : vector<1x64x64x256xf32> to vector<64x64x256xf32>
    %reshape3A_31 = vector.shape_cast %get3A_30 : vector<64x64x256xf32> to vector<4096x256xf32>
    %get3A_32 = arith.constant 2 : index
    %get3A_33 = arith.constant 0 : index
    %get3A_34 = arith.constant 0 : index
    %get3A_35 = vector.load %arg2[%get3A_32, %get3A_33, %get3A_34] : memref<9x256x256xf32, #tpu.memory_space<vmem>>, vector<1x256x256xf32>
    %get3A_36 = vector.shape_cast %get3A_35 : vector<1x256x256xf32> to vector<256x256xf32>
    %dot_general3A_37 = arith.constant dense<0.000000e+00> : vector<4096x256xf32>
    %dot_general3A_38 = tpu.matmul %reshape3A_31, %get3A_36, %dot_general3A_37 {dimension_numbers = #tpu.dot_dimension_numbers<[1], [0], [0], [1], [0, 0, 1, 1], [], []>, transpose_lhs_hint = false} : vector<4096x256xf32>, vector<256x256xf32>, vector<4096x256xf32> -> vector<4096x256xf32>
    %add3A_39 = arith.addf %add3A, %dot_general3A_38 : vector<4096x256xf32>
    %get3A_40 = arith.constant 0 : index
    %get3A_41 = arith.constant 1 : index
    %get3A_42 = arith.constant 0 : index
    %get3A_43 = arith.constant 0 : index
    %get3A_44 = vector.load %arg1[%get3A_40, %get3A_41, %get3A_42, %get3A_43] : memref<1x66x66x256xf32, #tpu.memory_space<vmem>>, vector<1x64x64x256xf32>
    %get3A_45 = vector.shape_cast %get3A_44 : vector<1x64x64x256xf32> to vector<64x64x256xf32>
    %reshape3A_46 = vector.shape_cast %get3A_45 : vector<64x64x256xf32> to vector<4096x256xf32>
    %get3A_47 = arith.constant 3 : index
    %get3A_48 = arith.constant 0 : index
    %get3A_49 = arith.constant 0 : index
    %get3A_50 = vector.load %arg2[%get3A_47, %get3A_48, %get3A_49] : memref<9x256x256xf32, #tpu.memory_space<vmem>>, vector<1x256x256xf32>
    %get3A_51 = vector.shape_cast %get3A_50 : vector<1x256x256xf32> to vector<256x256xf32>
    %dot_general3A_52 = arith.constant dense<0.000000e+00> : vector<4096x256xf32>
    %dot_general3A_53 = tpu.matmul %reshape3A_46, %get3A_51, %dot_general3A_52 {dimension_numbers = #tpu.dot_dimension_numbers<[1], [0], [0], [1], [0, 0, 1, 1], [], []>, transpose_lhs_hint = false} : vector<4096x256xf32>, vector<256x256xf32>, vector<4096x256xf32> -> vector<4096x256xf32>
    %add3A_54 = arith.addf %add3A_39, %dot_general3A_53 : vector<4096x256xf32>
    %get3A_55 = arith.constant 0 : index
    %get3A_56 = arith.constant 1 : index
    %get3A_57 = arith.constant 1 : index
    %get3A_58 = arith.constant 0 : index
    %get3A_59 = vector.load %arg1[%get3A_55, %get3A_56, %get3A_57, %get3A_58] : memref<1x66x66x256xf32, #tpu.memory_space<vmem>>, vector<1x64x64x256xf32>
    %get3A_60 = vector.shape_cast %get3A_59 : vector<1x64x64x256xf32> to vector<64x64x256xf32>
    %reshape3A_61 = vector.shape_cast %get3A_60 : vector<64x64x256xf32> to vector<4096x256xf32>
    %get3A_62 = arith.constant 4 : index
    %get3A_63 = arith.constant 0 : index
    %get3A_64 = arith.constant 0 : index
    %get3A_65 = vector.load %arg2[%get3A_62, %get3A_63, %get3A_64] : memref<9x256x256xf32, #tpu.memory_space<vmem>>, vector<1x256x256xf32>
    %get3A_66 = vector.shape_cast %get3A_65 : vector<1x256x256xf32> to vector<256x256xf32>
    %dot_general3A_67 = arith.constant dense<0.000000e+00> : vector<4096x256xf32>
    %dot_general3A_68 = tpu.matmul %reshape3A_61, %get3A_66, %dot_general3A_67 {dimension_numbers = #tpu.dot_dimension_numbers<[1], [0], [0], [1], [0, 0, 1, 1], [], []>, transpose_lhs_hint = false} : vector<4096x256xf32>, vector<256x256xf32>, vector<4096x256xf32> -> vector<4096x256xf32>
    %add3A_69 = arith.addf %add3A_54, %dot_general3A_68 : vector<4096x256xf32>
    %get3A_70 = arith.constant 0 : index
    %get3A_71 = arith.constant 1 : index
    %get3A_72 = arith.constant 2 : index
    %get3A_73 = arith.constant 0 : index
    %get3A_74 = vector.load %arg1[%get3A_70, %get3A_71, %get3A_72, %get3A_73] : memref<1x66x66x256xf32, #tpu.memory_space<vmem>>, vector<1x64x64x256xf32>
    %get3A_75 = vector.shape_cast %get3A_74 : vector<1x64x64x256xf32> to vector<64x64x256xf32>
    %reshape3A_76 = vector.shape_cast %get3A_75 : vector<64x64x256xf32> to vector<4096x256xf32>
    %get3A_77 = arith.constant 5 : index
    %get3A_78 = arith.constant 0 : index
    %get3A_79 = arith.constant 0 : index
    %get3A_80 = vector.load %arg2[%get3A_77, %get3A_78, %get3A_79] : memref<9x256x256xf32, #tpu.memory_space<vmem>>, vector<1x256x256xf32>
    %get3A_81 = vector.shape_cast %get3A_80 : vector<1x256x256xf32> to vector<256x256xf32>
    %dot_general3A_82 = arith.constant dense<0.000000e+00> : vector<4096x256xf32>
    %dot_general3A_83 = tpu.matmul %reshape3A_76, %get3A_81, %dot_general3A_82 {dimension_numbers = #tpu.dot_dimension_numbers<[1], [0], [0], [1], [0, 0, 1, 1], [], []>, transpose_lhs_hint = false} : vector<4096x256xf32>, vector<256x256xf32>, vector<4096x256xf32> -> vector<4096x256xf32>
    %add3A_84 = arith.addf %add3A_69, %dot_general3A_83 : vector<4096x256xf32>
    %get3A_85 = arith.constant 0 : index
    %get3A_86 = arith.constant 2 : index
    %get3A_87 = arith.constant 0 : index
    %get3A_88 = arith.constant 0 : index
    %get3A_89 = vector.load %arg1[%get3A_85, %get3A_86, %get3A_87, %get3A_88] : memref<1x66x66x256xf32, #tpu.memory_space<vmem>>, vector<1x64x64x256xf32>
    %get3A_90 = vector.shape_cast %get3A_89 : vector<1x64x64x256xf32> to vector<64x64x256xf32>
    %reshape3A_91 = vector.shape_cast %get3A_90 : vector<64x64x256xf32> to vector<4096x256xf32>
    %get3A_92 = arith.constant 6 : index
    %get3A_93 = arith.constant 0 : index
    %get3A_94 = arith.constant 0 : index
    %get3A_95 = vector.load %arg2[%get3A_92, %get3A_93, %get3A_94] : memref<9x256x256xf32, #tpu.memory_space<vmem>>, vector<1x256x256xf32>
    %get3A_96 = vector.shape_cast %get3A_95 : vector<1x256x256xf32> to vector<256x256xf32>
    %dot_general3A_97 = arith.constant dense<0.000000e+00> : vector<4096x256xf32>
    %dot_general3A_98 = tpu.matmul %reshape3A_91, %get3A_96, %dot_general3A_97 {dimension_numbers = #tpu.dot_dimension_numbers<[1], [0], [0], [1], [0, 0, 1, 1], [], []>, transpose_lhs_hint = false} : vector<4096x256xf32>, vector<256x256xf32>, vector<4096x256xf32> -> vector<4096x256xf32>
    %add3A_99 = arith.addf %add3A_84, %dot_general3A_98 : vector<4096x256xf32>
    %get3A_100 = arith.constant 0 : index
    %get3A_101 = arith.constant 2 : index
    %get3A_102 = arith.constant 1 : index
    %get3A_103 = arith.constant 0 : index
    %get3A_104 = vector.load %arg1[%get3A_100, %get3A_101, %get3A_102, %get3A_103] : memref<1x66x66x256xf32, #tpu.memory_space<vmem>>, vector<1x64x64x256xf32>
    %get3A_105 = vector.shape_cast %get3A_104 : vector<1x64x64x256xf32> to vector<64x64x256xf32>
    %reshape3A_106 = vector.shape_cast %get3A_105 : vector<64x64x256xf32> to vector<4096x256xf32>
    %get3A_107 = arith.constant 7 : index
    %get3A_108 = arith.constant 0 : index
    %get3A_109 = arith.constant 0 : index
    %get3A_110 = vector.load %arg2[%get3A_107, %get3A_108, %get3A_109] : memref<9x256x256xf32, #tpu.memory_space<vmem>>, vector<1x256x256xf32>
    %get3A_111 = vector.shape_cast %get3A_110 : vector<1x256x256xf32> to vector<256x256xf32>
    %dot_general3A_112 = arith.constant dense<0.000000e+00> : vector<4096x256xf32>
    %dot_general3A_113 = tpu.matmul %reshape3A_106, %get3A_111, %dot_general3A_112 {dimension_numbers = #tpu.dot_dimension_numbers<[1], [0], [0], [1], [0, 0, 1, 1], [], []>, transpose_lhs_hint = false} : vector<4096x256xf32>, vector<256x256xf32>, vector<4096x256xf32> -> vector<4096x256xf32>
    %add3A_114 = arith.addf %add3A_99, %dot_general3A_113 : vector<4096x256xf32>
    %get3A_115 = arith.constant 0 : index
    %get3A_116 = arith.constant 2 : index
    %get3A_117 = arith.constant 2 : index
    %get3A_118 = arith.constant 0 : index
    %get3A_119 = vector.load %arg1[%get3A_115, %get3A_116, %get3A_117, %get3A_118] : memref<1x66x66x256xf32, #tpu.memory_space<vmem>>, vector<1x64x64x256xf32>
    %get3A_120 = vector.shape_cast %get3A_119 : vector<1x64x64x256xf32> to vector<64x64x256xf32>
    %reshape3A_121 = vector.shape_cast %get3A_120 : vector<64x64x256xf32> to vector<4096x256xf32>
    %get3A_122 = arith.constant 8 : index
    %get3A_123 = arith.constant 0 : index
    %get3A_124 = arith.constant 0 : index
    %get3A_125 = vector.load %arg2[%get3A_122, %get3A_123, %get3A_124] : memref<9x256x256xf32, #tpu.memory_space<vmem>>, vector<1x256x256xf32>
    %get3A_126 = vector.shape_cast %get3A_125 : vector<1x256x256xf32> to vector<256x256xf32>
    %dot_general3A_127 = arith.constant dense<0.000000e+00> : vector<4096x256xf32>
    %dot_general3A_128 = tpu.matmul %reshape3A_121, %get3A_126, %dot_general3A_127 {dimension_numbers = #tpu.dot_dimension_numbers<[1], [0], [0], [1], [0, 0, 1, 1], [], []>, transpose_lhs_hint = false} : vector<4096x256xf32>, vector<256x256xf32>, vector<4096x256xf32> -> vector<4096x256xf32>
    %add3A_129 = arith.addf %add3A_114, %dot_general3A_128 : vector<4096x256xf32>
    %get3A_130 = arith.constant 0 : index
    %get3A_131 = arith.constant 0 : index
    %get3A_132 = vector.load %arg3[%get3A_130, %get3A_131] : memref<8x256xf32, #tpu.memory_space<vmem>>, vector<1x256xf32>
    %get3A_133 = vector.shape_cast %get3A_132 : vector<1x256xf32> to vector<256xf32>
    %broadcast_in_dim3A = vector.shape_cast %get3A_133 : vector<256xf32> to vector<1x256xf32>
    %add3A_134 = vector.broadcast %broadcast_in_dim3A : vector<1x256xf32> to vector<4096x256xf32>
    %add3A_135 = arith.addf %add3A_129, %add3A_134 : vector<4096x256xf32>
    %max3A = arith.constant 0.000000e+00 : f32
    %max3A_136 = vector.broadcast %max3A : f32 to vector<4096x256xf32>
    %max3A_137 = arith.maximumf %add3A_135, %max3A_136 : vector<4096x256xf32>
    %reshape3A_138 = vector.shape_cast %max3A_137 : vector<4096x256xf32> to vector<64x64x256xf32>
    %swap3A = arith.constant 0 : index
    %swap3A_139 = arith.constant 0 : index
    %swap3A_140 = arith.constant 0 : index
    %swap3A_141 = arith.constant 0 : index
    %swap3A_142 = vector.load %arg4[%swap3A, %swap3A_139, %swap3A_140, %swap3A_141] : memref<1x64x64x256xf32, #tpu.memory_space<vmem>>, vector<1x64x64x256xf32>
    %swap3A_143 = vector.shape_cast %swap3A_142 : vector<1x64x64x256xf32> to vector<64x64x256xf32>
    %swap3A_144 = vector.shape_cast %reshape3A_138 : vector<64x64x256xf32> to vector<1x64x64x256xf32>
    tpu.vector_store %arg4[%swap3A, %swap3A_139, %swap3A_140, %swap3A_141], %swap3A_144 {strides = array<i32>} : memref<1x64x64x256xf32, #tpu.memory_space<vmem>>, vector<1x64x64x256xf32>,
    return
  }
  func.func @transform_0(%arg0: i32) -> (i32, i32, i32, i32) {
    %c0_i32 = arith.constant 0 : i32
    %c0_i32_0 = arith.constant 0 : i32
    %c0_i32_1 = arith.constant 0 : i32
    %c0_i32_2 = arith.constant 0 : i32
    return %arg0, %c0_i32, %c0_i32_0, %c0_i32_1 : i32, i32, i32, i32
  }
  func.func @transform_1(%arg0: i32) -> (i32, i32, i32) {
    %c0_i32 = arith.constant 0 : i32
    %c0_i32_0 = arith.constant 0 : i32
    %c0_i32_1 = arith.constant 0 : i32
    %c0_i32_2 = arith.constant 0 : i32
    return %c0_i32, %c0_i32_0, %c0_i32_1 : i32, i32, i32
  }
  func.func @transform_2(%arg0: i32) -> (i32, i32) {
    %c0_i32 = arith.constant 0 : i32
    %c0_i32_0 = arith.constant 0 : i32
    %c0_i32_1 = arith.constant 0 : i32
    return %c0_i32, %c0_i32_0 : i32, i32
  }
  func.func @transform_3(%arg0: i32) -> (i32, i32, i32, i32) {
    %c0_i32 = arith.constant 0 : i32
    %c0_i32_0 = arith.constant 0 : i32
    %c0_i32_1 = arith.constant 0 : i32
    %c0_i32_2 = arith.constant 0 : i32
    return %arg0, %c0_i32, %c0_i32_0, %c0_i32_1 : i32, i32, i32, i32
  }
}

module attributes {stable_mosaic.version = 14 : i64} {
  func.func @_heads_kernel(%arg0: i32, %arg1: memref<1x66x66x256xf32, #tpu.memory_space<vmem>>, %arg2: memref<9x256x128xf32, #tpu.memory_space<vmem>>, %arg3: memref<8x128xf32, #tpu.memory_space<vmem>>, %arg4: memref<1x64x64x128xf32, #tpu.memory_space<vmem>>) attributes {dimension_semantics = [#tpu.dimension_semantics<arbitrary>], iteration_bounds = array<i64: 2>, scalar_prefetch = 0 : i64, scratch_operands = 0 : i64, tpu.core_type = #tpu.core_type<tc>, window_params = [{transform_indices = @transform_0, window_bounds = array<i64: 1, 66, 66, 256>}, {pipeline_mode = #tpu.pipeline_mode<synchronous>, transform_indices = @transform_1, window_bounds = array<i64: 9, 256, 128>}, {pipeline_mode = #tpu.pipeline_mode<synchronous>, transform_indices = @transform_2, window_bounds = array<i64: 8, 128>}, {transform_indices = @transform_3, window_bounds = array<i64: 1, 64, 64, 128>}]} {
    %get3A = arith.constant 0 : index
    %get3A_0 = arith.constant 0 : index
    %get3A_1 = arith.constant 0 : index
    %get3A_2 = arith.constant 0 : index
    %get3A_3 = vector.load %arg1[%get3A, %get3A_0, %get3A_1, %get3A_2] : memref<1x66x66x256xf32, #tpu.memory_space<vmem>>, vector<1x64x64x256xf32>
    %get3A_4 = vector.shape_cast %get3A_3 : vector<1x64x64x256xf32> to vector<64x64x256xf32>
    %reshape3A = vector.shape_cast %get3A_4 : vector<64x64x256xf32> to vector<4096x256xf32>
    %get3A_5 = arith.constant 0 : index
    %get3A_6 = arith.constant 0 : index
    %get3A_7 = arith.constant 0 : index
    %get3A_8 = vector.load %arg2[%get3A_5, %get3A_6, %get3A_7] : memref<9x256x128xf32, #tpu.memory_space<vmem>>, vector<1x256x128xf32>
    %get3A_9 = vector.shape_cast %get3A_8 : vector<1x256x128xf32> to vector<256x128xf32>
    %dot_general3A = arith.constant dense<0.000000e+00> : vector<4096x128xf32>
    %dot_general3A_10 = tpu.matmul %reshape3A, %get3A_9, %dot_general3A {dimension_numbers = #tpu.dot_dimension_numbers<[1], [0], [0], [1], [0, 0, 1, 1], [], []>, transpose_lhs_hint = false} : vector<4096x256xf32>, vector<256x128xf32>, vector<4096x128xf32> -> vector<4096x128xf32>
    %get3A_11 = arith.constant 0 : index
    %get3A_12 = arith.constant 0 : index
    %get3A_13 = arith.constant 1 : index
    %get3A_14 = arith.constant 0 : index
    %get3A_15 = vector.load %arg1[%get3A_11, %get3A_12, %get3A_13, %get3A_14] : memref<1x66x66x256xf32, #tpu.memory_space<vmem>>, vector<1x64x64x256xf32>
    %get3A_16 = vector.shape_cast %get3A_15 : vector<1x64x64x256xf32> to vector<64x64x256xf32>
    %reshape3A_17 = vector.shape_cast %get3A_16 : vector<64x64x256xf32> to vector<4096x256xf32>
    %get3A_18 = arith.constant 1 : index
    %get3A_19 = arith.constant 0 : index
    %get3A_20 = arith.constant 0 : index
    %get3A_21 = vector.load %arg2[%get3A_18, %get3A_19, %get3A_20] : memref<9x256x128xf32, #tpu.memory_space<vmem>>, vector<1x256x128xf32>
    %get3A_22 = vector.shape_cast %get3A_21 : vector<1x256x128xf32> to vector<256x128xf32>
    %dot_general3A_23 = arith.constant dense<0.000000e+00> : vector<4096x128xf32>
    %dot_general3A_24 = tpu.matmul %reshape3A_17, %get3A_22, %dot_general3A_23 {dimension_numbers = #tpu.dot_dimension_numbers<[1], [0], [0], [1], [0, 0, 1, 1], [], []>, transpose_lhs_hint = false} : vector<4096x256xf32>, vector<256x128xf32>, vector<4096x128xf32> -> vector<4096x128xf32>
    %add3A = arith.addf %dot_general3A_10, %dot_general3A_24 : vector<4096x128xf32>
    %get3A_25 = arith.constant 0 : index
    %get3A_26 = arith.constant 0 : index
    %get3A_27 = arith.constant 2 : index
    %get3A_28 = arith.constant 0 : index
    %get3A_29 = vector.load %arg1[%get3A_25, %get3A_26, %get3A_27, %get3A_28] : memref<1x66x66x256xf32, #tpu.memory_space<vmem>>, vector<1x64x64x256xf32>
    %get3A_30 = vector.shape_cast %get3A_29 : vector<1x64x64x256xf32> to vector<64x64x256xf32>
    %reshape3A_31 = vector.shape_cast %get3A_30 : vector<64x64x256xf32> to vector<4096x256xf32>
    %get3A_32 = arith.constant 2 : index
    %get3A_33 = arith.constant 0 : index
    %get3A_34 = arith.constant 0 : index
    %get3A_35 = vector.load %arg2[%get3A_32, %get3A_33, %get3A_34] : memref<9x256x128xf32, #tpu.memory_space<vmem>>, vector<1x256x128xf32>
    %get3A_36 = vector.shape_cast %get3A_35 : vector<1x256x128xf32> to vector<256x128xf32>
    %dot_general3A_37 = arith.constant dense<0.000000e+00> : vector<4096x128xf32>
    %dot_general3A_38 = tpu.matmul %reshape3A_31, %get3A_36, %dot_general3A_37 {dimension_numbers = #tpu.dot_dimension_numbers<[1], [0], [0], [1], [0, 0, 1, 1], [], []>, transpose_lhs_hint = false} : vector<4096x256xf32>, vector<256x128xf32>, vector<4096x128xf32> -> vector<4096x128xf32>
    %add3A_39 = arith.addf %add3A, %dot_general3A_38 : vector<4096x128xf32>
    %get3A_40 = arith.constant 0 : index
    %get3A_41 = arith.constant 1 : index
    %get3A_42 = arith.constant 0 : index
    %get3A_43 = arith.constant 0 : index
    %get3A_44 = vector.load %arg1[%get3A_40, %get3A_41, %get3A_42, %get3A_43] : memref<1x66x66x256xf32, #tpu.memory_space<vmem>>, vector<1x64x64x256xf32>
    %get3A_45 = vector.shape_cast %get3A_44 : vector<1x64x64x256xf32> to vector<64x64x256xf32>
    %reshape3A_46 = vector.shape_cast %get3A_45 : vector<64x64x256xf32> to vector<4096x256xf32>
    %get3A_47 = arith.constant 3 : index
    %get3A_48 = arith.constant 0 : index
    %get3A_49 = arith.constant 0 : index
    %get3A_50 = vector.load %arg2[%get3A_47, %get3A_48, %get3A_49] : memref<9x256x128xf32, #tpu.memory_space<vmem>>, vector<1x256x128xf32>
    %get3A_51 = vector.shape_cast %get3A_50 : vector<1x256x128xf32> to vector<256x128xf32>
    %dot_general3A_52 = arith.constant dense<0.000000e+00> : vector<4096x128xf32>
    %dot_general3A_53 = tpu.matmul %reshape3A_46, %get3A_51, %dot_general3A_52 {dimension_numbers = #tpu.dot_dimension_numbers<[1], [0], [0], [1], [0, 0, 1, 1], [], []>, transpose_lhs_hint = false} : vector<4096x256xf32>, vector<256x128xf32>, vector<4096x128xf32> -> vector<4096x128xf32>
    %add3A_54 = arith.addf %add3A_39, %dot_general3A_53 : vector<4096x128xf32>
    %get3A_55 = arith.constant 0 : index
    %get3A_56 = arith.constant 1 : index
    %get3A_57 = arith.constant 1 : index
    %get3A_58 = arith.constant 0 : index
    %get3A_59 = vector.load %arg1[%get3A_55, %get3A_56, %get3A_57, %get3A_58] : memref<1x66x66x256xf32, #tpu.memory_space<vmem>>, vector<1x64x64x256xf32>
    %get3A_60 = vector.shape_cast %get3A_59 : vector<1x64x64x256xf32> to vector<64x64x256xf32>
    %reshape3A_61 = vector.shape_cast %get3A_60 : vector<64x64x256xf32> to vector<4096x256xf32>
    %get3A_62 = arith.constant 4 : index
    %get3A_63 = arith.constant 0 : index
    %get3A_64 = arith.constant 0 : index
    %get3A_65 = vector.load %arg2[%get3A_62, %get3A_63, %get3A_64] : memref<9x256x128xf32, #tpu.memory_space<vmem>>, vector<1x256x128xf32>
    %get3A_66 = vector.shape_cast %get3A_65 : vector<1x256x128xf32> to vector<256x128xf32>
    %dot_general3A_67 = arith.constant dense<0.000000e+00> : vector<4096x128xf32>
    %dot_general3A_68 = tpu.matmul %reshape3A_61, %get3A_66, %dot_general3A_67 {dimension_numbers = #tpu.dot_dimension_numbers<[1], [0], [0], [1], [0, 0, 1, 1], [], []>, transpose_lhs_hint = false} : vector<4096x256xf32>, vector<256x128xf32>, vector<4096x128xf32> -> vector<4096x128xf32>
    %add3A_69 = arith.addf %add3A_54, %dot_general3A_68 : vector<4096x128xf32>
    %get3A_70 = arith.constant 0 : index
    %get3A_71 = arith.constant 1 : index
    %get3A_72 = arith.constant 2 : index
    %get3A_73 = arith.constant 0 : index
    %get3A_74 = vector.load %arg1[%get3A_70, %get3A_71, %get3A_72, %get3A_73] : memref<1x66x66x256xf32, #tpu.memory_space<vmem>>, vector<1x64x64x256xf32>
    %get3A_75 = vector.shape_cast %get3A_74 : vector<1x64x64x256xf32> to vector<64x64x256xf32>
    %reshape3A_76 = vector.shape_cast %get3A_75 : vector<64x64x256xf32> to vector<4096x256xf32>
    %get3A_77 = arith.constant 5 : index
    %get3A_78 = arith.constant 0 : index
    %get3A_79 = arith.constant 0 : index
    %get3A_80 = vector.load %arg2[%get3A_77, %get3A_78, %get3A_79] : memref<9x256x128xf32, #tpu.memory_space<vmem>>, vector<1x256x128xf32>
    %get3A_81 = vector.shape_cast %get3A_80 : vector<1x256x128xf32> to vector<256x128xf32>
    %dot_general3A_82 = arith.constant dense<0.000000e+00> : vector<4096x128xf32>
    %dot_general3A_83 = tpu.matmul %reshape3A_76, %get3A_81, %dot_general3A_82 {dimension_numbers = #tpu.dot_dimension_numbers<[1], [0], [0], [1], [0, 0, 1, 1], [], []>, transpose_lhs_hint = false} : vector<4096x256xf32>, vector<256x128xf32>, vector<4096x128xf32> -> vector<4096x128xf32>
    %add3A_84 = arith.addf %add3A_69, %dot_general3A_83 : vector<4096x128xf32>
    %get3A_85 = arith.constant 0 : index
    %get3A_86 = arith.constant 2 : index
    %get3A_87 = arith.constant 0 : index
    %get3A_88 = arith.constant 0 : index
    %get3A_89 = vector.load %arg1[%get3A_85, %get3A_86, %get3A_87, %get3A_88] : memref<1x66x66x256xf32, #tpu.memory_space<vmem>>, vector<1x64x64x256xf32>
    %get3A_90 = vector.shape_cast %get3A_89 : vector<1x64x64x256xf32> to vector<64x64x256xf32>
    %reshape3A_91 = vector.shape_cast %get3A_90 : vector<64x64x256xf32> to vector<4096x256xf32>
    %get3A_92 = arith.constant 6 : index
    %get3A_93 = arith.constant 0 : index
    %get3A_94 = arith.constant 0 : index
    %get3A_95 = vector.load %arg2[%get3A_92, %get3A_93, %get3A_94] : memref<9x256x128xf32, #tpu.memory_space<vmem>>, vector<1x256x128xf32>
    %get3A_96 = vector.shape_cast %get3A_95 : vector<1x256x128xf32> to vector<256x128xf32>
    %dot_general3A_97 = arith.constant dense<0.000000e+00> : vector<4096x128xf32>
    %dot_general3A_98 = tpu.matmul %reshape3A_91, %get3A_96, %dot_general3A_97 {dimension_numbers = #tpu.dot_dimension_numbers<[1], [0], [0], [1], [0, 0, 1, 1], [], []>, transpose_lhs_hint = false} : vector<4096x256xf32>, vector<256x128xf32>, vector<4096x128xf32> -> vector<4096x128xf32>
    %add3A_99 = arith.addf %add3A_84, %dot_general3A_98 : vector<4096x128xf32>
    %get3A_100 = arith.constant 0 : index
    %get3A_101 = arith.constant 2 : index
    %get3A_102 = arith.constant 1 : index
    %get3A_103 = arith.constant 0 : index
    %get3A_104 = vector.load %arg1[%get3A_100, %get3A_101, %get3A_102, %get3A_103] : memref<1x66x66x256xf32, #tpu.memory_space<vmem>>, vector<1x64x64x256xf32>
    %get3A_105 = vector.shape_cast %get3A_104 : vector<1x64x64x256xf32> to vector<64x64x256xf32>
    %reshape3A_106 = vector.shape_cast %get3A_105 : vector<64x64x256xf32> to vector<4096x256xf32>
    %get3A_107 = arith.constant 7 : index
    %get3A_108 = arith.constant 0 : index
    %get3A_109 = arith.constant 0 : index
    %get3A_110 = vector.load %arg2[%get3A_107, %get3A_108, %get3A_109] : memref<9x256x128xf32, #tpu.memory_space<vmem>>, vector<1x256x128xf32>
    %get3A_111 = vector.shape_cast %get3A_110 : vector<1x256x128xf32> to vector<256x128xf32>
    %dot_general3A_112 = arith.constant dense<0.000000e+00> : vector<4096x128xf32>
    %dot_general3A_113 = tpu.matmul %reshape3A_106, %get3A_111, %dot_general3A_112 {dimension_numbers = #tpu.dot_dimension_numbers<[1], [0], [0], [1], [0, 0, 1, 1], [], []>, transpose_lhs_hint = false} : vector<4096x256xf32>, vector<256x128xf32>, vector<4096x128xf32> -> vector<4096x128xf32>
    %add3A_114 = arith.addf %add3A_99, %dot_general3A_113 : vector<4096x128xf32>
    %get3A_115 = arith.constant 0 : index
    %get3A_116 = arith.constant 2 : index
    %get3A_117 = arith.constant 2 : index
    %get3A_118 = arith.constant 0 : index
    %get3A_119 = vector.load %arg1[%get3A_115, %get3A_116, %get3A_117, %get3A_118] : memref<1x66x66x256xf32, #tpu.memory_space<vmem>>, vector<1x64x64x256xf32>
    %get3A_120 = vector.shape_cast %get3A_119 : vector<1x64x64x256xf32> to vector<64x64x256xf32>
    %reshape3A_121 = vector.shape_cast %get3A_120 : vector<64x64x256xf32> to vector<4096x256xf32>
    %get3A_122 = arith.constant 8 : index
    %get3A_123 = arith.constant 0 : index
    %get3A_124 = arith.constant 0 : index
    %get3A_125 = vector.load %arg2[%get3A_122, %get3A_123, %get3A_124] : memref<9x256x128xf32, #tpu.memory_space<vmem>>, vector<1x256x128xf32>
    %get3A_126 = vector.shape_cast %get3A_125 : vector<1x256x128xf32> to vector<256x128xf32>
    %dot_general3A_127 = arith.constant dense<0.000000e+00> : vector<4096x128xf32>
    %dot_general3A_128 = tpu.matmul %reshape3A_121, %get3A_126, %dot_general3A_127 {dimension_numbers = #tpu.dot_dimension_numbers<[1], [0], [0], [1], [0, 0, 1, 1], [], []>, transpose_lhs_hint = false} : vector<4096x256xf32>, vector<256x128xf32>, vector<4096x128xf32> -> vector<4096x128xf32>
    %add3A_129 = arith.addf %add3A_114, %dot_general3A_128 : vector<4096x128xf32>
    %get3A_130 = arith.constant 0 : index
    %get3A_131 = arith.constant 0 : index
    %get3A_132 = vector.load %arg3[%get3A_130, %get3A_131] : memref<8x128xf32, #tpu.memory_space<vmem>>, vector<1x128xf32>
    %get3A_133 = vector.shape_cast %get3A_132 : vector<1x128xf32> to vector<128xf32>
    %broadcast_in_dim3A = vector.shape_cast %get3A_133 : vector<128xf32> to vector<1x128xf32>
    %add3A_134 = vector.broadcast %broadcast_in_dim3A : vector<1x128xf32> to vector<4096x128xf32>
    %add3A_135 = arith.addf %add3A_129, %add3A_134 : vector<4096x128xf32>
    %reshape3A_136 = vector.shape_cast %add3A_135 : vector<4096x128xf32> to vector<64x64x128xf32>
    %swap3A = arith.constant 0 : index
    %swap3A_137 = arith.constant 0 : index
    %swap3A_138 = arith.constant 0 : index
    %swap3A_139 = arith.constant 0 : index
    %swap3A_140 = vector.load %arg4[%swap3A, %swap3A_137, %swap3A_138, %swap3A_139] : memref<1x64x64x128xf32, #tpu.memory_space<vmem>>, vector<1x64x64x128xf32>
    %swap3A_141 = vector.shape_cast %swap3A_140 : vector<1x64x64x128xf32> to vector<64x64x128xf32>
    %swap3A_142 = vector.shape_cast %reshape3A_136 : vector<64x64x128xf32> to vector<1x64x64x128xf32>
    tpu.vector_store %arg4[%swap3A, %swap3A_137, %swap3A_138, %swap3A_139], %swap3A_142 {strides = array<i32>} : memref<1x64x64x128xf32, #tpu.memory_space<vmem>>, vector<1x64x64x128xf32>,
    return
  }
  func.func @transform_0(%arg0: i32) -> (i32, i32, i32, i32) {
    %c0_i32 = arith.constant 0 : i32
    %c0_i32_0 = arith.constant 0 : i32
    %c0_i32_1 = arith.constant 0 : i32
    %c0_i32_2 = arith.constant 0 : i32
    return %arg0, %c0_i32, %c0_i32_0, %c0_i32_1 : i32, i32, i32, i32
  }
  func.func @transform_1(%arg0: i32) -> (i32, i32, i32) {
    %c0_i32 = arith.constant 0 : i32
    %c0_i32_0 = arith.constant 0 : i32
    %c0_i32_1 = arith.constant 0 : i32
    %c0_i32_2 = arith.constant 0 : i32
    return %c0_i32, %c0_i32_0, %c0_i32_1 : i32, i32, i32
  }
  func.func @transform_2(%arg0: i32) -> (i32, i32) {
    %c0_i32 = arith.constant 0 : i32
    %c0_i32_0 = arith.constant 0 : i32
    %c0_i32_1 = arith.constant 0 : i32
    return %c0_i32, %c0_i32_0 : i32, i32
  }
  func.func @transform_3(%arg0: i32) -> (i32, i32, i32, i32) {
    %c0_i32 = arith.constant 0 : i32
    %c0_i32_0 = arith.constant 0 : i32
    %c0_i32_1 = arith.constant 0 : i32
    %c0_i32_2 = arith.constant 0 : i32
    return %arg0, %c0_i32, %c0_i32_0, %c0_i32_1 : i32, i32, i32, i32
  }
}

module attributes {stable_mosaic.version = 14 : i64} {
  func.func @_decode_kernel(%arg0: i32, %arg1: memref<4x288x128xf32, #tpu.memory_space<vmem>>, %arg2: memref<1x5x288x128xf32, #tpu.memory_space<vmem>>, %arg3: memref<1x6x288x128xf32, #tpu.memory_space<vmem>>) attributes {dimension_semantics = [#tpu.dimension_semantics<arbitrary>], iteration_bounds = array<i64: 2>, scalar_prefetch = 0 : i64, scratch_operands = 0 : i64, tpu.core_type = #tpu.core_type<tc>, window_params = [{pipeline_mode = #tpu.pipeline_mode<synchronous>, transform_indices = @transform_0, window_bounds = array<i64: 4, 288, 128>}, {transform_indices = @transform_1, window_bounds = array<i64: 1, 5, 288, 128>}, {transform_indices = @transform_2, window_bounds = array<i64: 1, 6, 288, 128>}]} {
    %get3A = arith.constant 0 : index
    %get3A_0 = arith.constant 0 : index
    %get3A_1 = arith.constant 0 : index
    %get3A_2 = vector.load %arg1[%get3A, %get3A_0, %get3A_1] : memref<4x288x128xf32, #tpu.memory_space<vmem>>, vector<1x288x128xf32>
    %get3A_3 = vector.shape_cast %get3A_2 : vector<1x288x128xf32> to vector<288x128xf32>
    %get3A_4 = arith.constant 1 : index
    %get3A_5 = arith.constant 0 : index
    %get3A_6 = arith.constant 0 : index
    %get3A_7 = vector.load %arg1[%get3A_4, %get3A_5, %get3A_6] : memref<4x288x128xf32, #tpu.memory_space<vmem>>, vector<1x288x128xf32>
    %get3A_8 = vector.shape_cast %get3A_7 : vector<1x288x128xf32> to vector<288x128xf32>
    %get3A_9 = arith.constant 2 : index
    %get3A_10 = arith.constant 0 : index
    %get3A_11 = arith.constant 0 : index
    %get3A_12 = vector.load %arg1[%get3A_9, %get3A_10, %get3A_11] : memref<4x288x128xf32, #tpu.memory_space<vmem>>, vector<1x288x128xf32>
    %get3A_13 = vector.shape_cast %get3A_12 : vector<1x288x128xf32> to vector<288x128xf32>
    %get3A_14 = arith.constant 3 : index
    %get3A_15 = arith.constant 0 : index
    %get3A_16 = arith.constant 0 : index
    %get3A_17 = vector.load %arg1[%get3A_14, %get3A_15, %get3A_16] : memref<4x288x128xf32, #tpu.memory_space<vmem>>, vector<1x288x128xf32>
    %get3A_18 = vector.shape_cast %get3A_17 : vector<1x288x128xf32> to vector<288x128xf32>
    %get3A_19 = arith.constant 0 : index
    %get3A_20 = arith.constant 0 : index
    %get3A_21 = arith.constant 0 : index
    %get3A_22 = arith.constant 0 : index
    %get3A_23 = vector.load %arg2[%get3A_19, %get3A_20, %get3A_21, %get3A_22] : memref<1x5x288x128xf32, #tpu.memory_space<vmem>>, vector<1x1x288x128xf32>
    %get3A_24 = vector.shape_cast %get3A_23 : vector<1x1x288x128xf32> to vector<288x128xf32>
    %get3A_25 = arith.constant 0 : index
    %get3A_26 = arith.constant 1 : index
    %get3A_27 = arith.constant 0 : index
    %get3A_28 = arith.constant 0 : index
    %get3A_29 = vector.load %arg2[%get3A_25, %get3A_26, %get3A_27, %get3A_28] : memref<1x5x288x128xf32, #tpu.memory_space<vmem>>, vector<1x1x288x128xf32>
    %get3A_30 = vector.shape_cast %get3A_29 : vector<1x1x288x128xf32> to vector<288x128xf32>
    %get3A_31 = arith.constant 0 : index
    %get3A_32 = arith.constant 2 : index
    %get3A_33 = arith.constant 0 : index
    %get3A_34 = arith.constant 0 : index
    %get3A_35 = vector.load %arg2[%get3A_31, %get3A_32, %get3A_33, %get3A_34] : memref<1x5x288x128xf32, #tpu.memory_space<vmem>>, vector<1x1x288x128xf32>
    %get3A_36 = vector.shape_cast %get3A_35 : vector<1x1x288x128xf32> to vector<288x128xf32>
    %get3A_37 = arith.constant 0 : index
    %get3A_38 = arith.constant 3 : index
    %get3A_39 = arith.constant 0 : index
    %get3A_40 = arith.constant 0 : index
    %get3A_41 = vector.load %arg2[%get3A_37, %get3A_38, %get3A_39, %get3A_40] : memref<1x5x288x128xf32, #tpu.memory_space<vmem>>, vector<1x1x288x128xf32>
    %get3A_42 = vector.shape_cast %get3A_41 : vector<1x1x288x128xf32> to vector<288x128xf32>
    %get3A_43 = arith.constant 0 : index
    %get3A_44 = arith.constant 4 : index
    %get3A_45 = arith.constant 0 : index
    %get3A_46 = arith.constant 0 : index
    %get3A_47 = vector.load %arg2[%get3A_43, %get3A_44, %get3A_45, %get3A_46] : memref<1x5x288x128xf32, #tpu.memory_space<vmem>>, vector<1x1x288x128xf32>
    %get3A_48 = vector.shape_cast %get3A_47 : vector<1x1x288x128xf32> to vector<288x128xf32>
    %mul3A = arith.mulf %get3A_24, %get3A_3 : vector<288x128xf32>
    %add3A = arith.addf %mul3A, %get3A_13 : vector<288x128xf32>
    %mul3A_49 = arith.mulf %get3A_30, %get3A_8 : vector<288x128xf32>
    %add3A_50 = arith.addf %mul3A_49, %get3A_18 : vector<288x128xf32>
    %exp3A = math.exp %get3A_36 : vector<288x128xf32>
    %mul3A_51 = arith.mulf %exp3A, %get3A_3 : vector<288x128xf32>
    %exp3A_52 = math.exp %get3A_42 : vector<288x128xf32>
    %mul3A_53 = arith.mulf %exp3A_52, %get3A_8 : vector<288x128xf32>
    %mul3A_54 = arith.constant 5.000000e-01 : f32
    %mul3A_55 = vector.broadcast %mul3A_54 : f32 to vector<288x128xf32>
    %mul3A_56 = arith.mulf %mul3A_55, %mul3A_51 : vector<288x128xf32>
    %sub3A = arith.subf %add3A, %mul3A_56 : vector<288x128xf32>
    %jit3A = arith.constant 0.000000e+00 : f32
    %jit3A_57 = arith.constant 1.023000e+03 : f32
    %max3A = vector.broadcast %jit3A : f32 to vector<288x128xf32>
    %max3A_58 = arith.maximumf %max3A, %sub3A : vector<288x128xf32>
    %min3A = vector.broadcast %jit3A_57 : f32 to vector<288x128xf32>
    %min3A_59 = arith.minimumf %min3A, %max3A_58 : vector<288x128xf32>
    %mul3A_60 = arith.constant 5.000000e-01 : f32
    %mul3A_61 = vector.broadcast %mul3A_60 : f32 to vector<288x128xf32>
    %mul3A_62 = arith.mulf %mul3A_61, %mul3A_53 : vector<288x128xf32>
    %sub3A_63 = arith.subf %add3A_50, %mul3A_62 : vector<288x128xf32>
    %jit3A_64 = arith.constant 0.000000e+00 : f32
    %jit3A_65 = arith.constant 1.023000e+03 : f32
    %max3A_66 = vector.broadcast %jit3A_64 : f32 to vector<288x128xf32>
    %max3A_67 = arith.maximumf %max3A_66, %sub3A_63 : vector<288x128xf32>
    %min3A_68 = vector.broadcast %jit3A_65 : f32 to vector<288x128xf32>
    %min3A_69 = arith.minimumf %min3A_68, %max3A_67 : vector<288x128xf32>
    %mul3A_70 = arith.constant 5.000000e-01 : f32
    %mul3A_71 = vector.broadcast %mul3A_70 : f32 to vector<288x128xf32>
    %mul3A_72 = arith.mulf %mul3A_71, %mul3A_51 : vector<288x128xf32>
    %add3A_73 = arith.addf %add3A, %mul3A_72 : vector<288x128xf32>
    %jit3A_74 = arith.constant 0.000000e+00 : f32
    %jit3A_75 = arith.constant 1.023000e+03 : f32
    %max3A_76 = vector.broadcast %jit3A_74 : f32 to vector<288x128xf32>
    %max3A_77 = arith.maximumf %max3A_76, %add3A_73 : vector<288x128xf32>
    %min3A_78 = vector.broadcast %jit3A_75 : f32 to vector<288x128xf32>
    %min3A_79 = arith.minimumf %min3A_78, %max3A_77 : vector<288x128xf32>
    %mul3A_80 = arith.constant 5.000000e-01 : f32
    %mul3A_81 = vector.broadcast %mul3A_80 : f32 to vector<288x128xf32>
    %mul3A_82 = arith.mulf %mul3A_81, %mul3A_53 : vector<288x128xf32>
    %add3A_83 = arith.addf %add3A_50, %mul3A_82 : vector<288x128xf32>
    %jit3A_84 = arith.constant 0.000000e+00 : f32
    %jit3A_85 = arith.constant 1.023000e+03 : f32
    %max3A_86 = vector.broadcast %jit3A_84 : f32 to vector<288x128xf32>
    %max3A_87 = arith.maximumf %max3A_86, %add3A_83 : vector<288x128xf32>
    %min3A_88 = vector.broadcast %jit3A_85 : f32 to vector<288x128xf32>
    %min3A_89 = arith.minimumf %min3A_88, %max3A_87 : vector<288x128xf32>
    %sub3A_90 = arith.subf %min3A_79, %min3A_59 : vector<288x128xf32>
    %add3A_91 = arith.constant 1.000000e+00 : f32
    %add3A_92 = vector.broadcast %add3A_91 : f32 to vector<288x128xf32>
    %add3A_93 = arith.addf %sub3A_90, %add3A_92 : vector<288x128xf32>
    %sub3A_94 = arith.subf %min3A_89, %min3A_69 : vector<288x128xf32>
    %add3A_95 = arith.constant 1.000000e+00 : f32
    %add3A_96 = vector.broadcast %add3A_95 : f32 to vector<288x128xf32>
    %add3A_97 = arith.addf %sub3A_94, %add3A_96 : vector<288x128xf32>
    %ge3A = arith.constant 1.600000e+01 : f32
    %ge3A_98 = vector.broadcast %ge3A : f32 to vector<288x128xf32>
    %ge3A_99 = arith.cmpf oge, %add3A_93, %ge3A_98 : vector<288x128xf32>
    %ge3A_100 = arith.constant 1.600000e+01 : f32
    %ge3A_101 = vector.broadcast %ge3A_100 : f32 to vector<288x128xf32>
    %ge3A_102 = arith.cmpf oge, %add3A_97, %ge3A_101 : vector<288x128xf32>
    %and3A = arith.andi %ge3A_99, %ge3A_102 : vector<288x128xi1>
    %neg3A = arith.constant 0.000000e+00 : f32
    %neg3A_103 = vector.broadcast %neg3A : f32 to vector<288x128xf32>
    %neg3A_104 = arith.subf %neg3A_103, %get3A_48 : vector<288x128xf32>
    %jit3A_105 = arith.constant 0x7F800000 : f32
    %broadcast_in_dim3A = vector.broadcast %jit3A_105 : f32 to vector<288x128xf32>
    %select_n3A = arith.select %and3A, %neg3A_104, %broadcast_in_dim3A : vector<288x128xi1>, vector<288x128xf32>
    %convert_element_type3A = arith.extui %and3A : vector<288x128xi1> to vector<288x128xi32>
    %convert_element_type3A_106 = arith.sitofp %convert_element_type3A : vector<288x128xi32> to vector<288x128xf32>
    %reduce_sum3A = vector.shape_cast %convert_element_type3A_106 : vector<288x128xf32> to vector<1x288x128xf32>
    %reduce_sum3A_107 = arith.constant dense<0.000000e+00> : vector<1xf32>
    %reduce_sum3A_108 = vector.multi_reduction <add>, %reduce_sum3A, %reduce_sum3A_107 [1, 2] : vector<1x288x128xf32> to vector<1xf32>
    %reduce_sum3A_109 = vector.shape_cast %reduce_sum3A_108 : vector<1xf32> to vector<1x1x1xf32>
    %reduce_sum3A_110 = vector.extract %reduce_sum3A_109[0, 0, 0] : f32 from vector<1x1x1xf32>
    %swap3A = arith.constant 0 : index
    %swap3A_111 = arith.constant 0 : index
    %swap3A_112 = arith.constant 0 : index
    %swap3A_113 = arith.constant 0 : index
    %swap3A_114 = vector.load %arg3[%swap3A, %swap3A_111, %swap3A_112, %swap3A_113] : memref<1x6x288x128xf32, #tpu.memory_space<vmem>>, vector<1x1x288x128xf32>
    %swap3A_115 = vector.shape_cast %swap3A_114 : vector<1x1x288x128xf32> to vector<288x128xf32>
    %swap3A_116 = vector.shape_cast %min3A_59 : vector<288x128xf32> to vector<1x1x288x128xf32>
    tpu.vector_store %arg3[%swap3A, %swap3A_111, %swap3A_112, %swap3A_113], %swap3A_116 {strides = array<i32>} : memref<1x6x288x128xf32, #tpu.memory_space<vmem>>, vector<1x1x288x128xf32>,
    %swap3A_117 = arith.constant 0 : index
    %swap3A_118 = arith.constant 1 : index
    %swap3A_119 = arith.constant 0 : index
    %swap3A_120 = arith.constant 0 : index
    %swap3A_121 = vector.load %arg3[%swap3A_117, %swap3A_118, %swap3A_119, %swap3A_120] : memref<1x6x288x128xf32, #tpu.memory_space<vmem>>, vector<1x1x288x128xf32>
    %swap3A_122 = vector.shape_cast %swap3A_121 : vector<1x1x288x128xf32> to vector<288x128xf32>
    %swap3A_123 = vector.shape_cast %min3A_69 : vector<288x128xf32> to vector<1x1x288x128xf32>
    tpu.vector_store %arg3[%swap3A_117, %swap3A_118, %swap3A_119, %swap3A_120], %swap3A_123 {strides = array<i32>} : memref<1x6x288x128xf32, #tpu.memory_space<vmem>>, vector<1x1x288x128xf32>,
    %swap3A_124 = arith.constant 0 : index
    %swap3A_125 = arith.constant 2 : index
    %swap3A_126 = arith.constant 0 : index
    %swap3A_127 = arith.constant 0 : index
    %swap3A_128 = vector.load %arg3[%swap3A_124, %swap3A_125, %swap3A_126, %swap3A_127] : memref<1x6x288x128xf32, #tpu.memory_space<vmem>>, vector<1x1x288x128xf32>
    %swap3A_129 = vector.shape_cast %swap3A_128 : vector<1x1x288x128xf32> to vector<288x128xf32>
    %swap3A_130 = vector.shape_cast %min3A_79 : vector<288x128xf32> to vector<1x1x288x128xf32>
    tpu.vector_store %arg3[%swap3A_124, %swap3A_125, %swap3A_126, %swap3A_127], %swap3A_130 {strides = array<i32>} : memref<1x6x288x128xf32, #tpu.memory_space<vmem>>, vector<1x1x288x128xf32>,
    %swap3A_131 = arith.constant 0 : index
    %swap3A_132 = arith.constant 3 : index
    %swap3A_133 = arith.constant 0 : index
    %swap3A_134 = arith.constant 0 : index
    %swap3A_135 = vector.load %arg3[%swap3A_131, %swap3A_132, %swap3A_133, %swap3A_134] : memref<1x6x288x128xf32, #tpu.memory_space<vmem>>, vector<1x1x288x128xf32>
    %swap3A_136 = vector.shape_cast %swap3A_135 : vector<1x1x288x128xf32> to vector<288x128xf32>
    %swap3A_137 = vector.shape_cast %min3A_89 : vector<288x128xf32> to vector<1x1x288x128xf32>
    tpu.vector_store %arg3[%swap3A_131, %swap3A_132, %swap3A_133, %swap3A_134], %swap3A_137 {strides = array<i32>} : memref<1x6x288x128xf32, #tpu.memory_space<vmem>>, vector<1x1x288x128xf32>,
    %swap3A_138 = arith.constant 0 : index
    %swap3A_139 = arith.constant 4 : index
    %swap3A_140 = arith.constant 0 : index
    %swap3A_141 = arith.constant 0 : index
    %swap3A_142 = vector.load %arg3[%swap3A_138, %swap3A_139, %swap3A_140, %swap3A_141] : memref<1x6x288x128xf32, #tpu.memory_space<vmem>>, vector<1x1x288x128xf32>
    %swap3A_143 = vector.shape_cast %swap3A_142 : vector<1x1x288x128xf32> to vector<288x128xf32>
    %swap3A_144 = vector.shape_cast %select_n3A : vector<288x128xf32> to vector<1x1x288x128xf32>
    tpu.vector_store %arg3[%swap3A_138, %swap3A_139, %swap3A_140, %swap3A_141], %swap3A_144 {strides = array<i32>} : memref<1x6x288x128xf32, #tpu.memory_space<vmem>>, vector<1x1x288x128xf32>,
    %broadcast_in_dim3A_145 = vector.broadcast %reduce_sum3A_110 : f32 to vector<288x128xf32>
    %swap3A_146 = arith.constant 0 : index
    %swap3A_147 = arith.constant 5 : index
    %swap3A_148 = arith.constant 0 : index
    %swap3A_149 = arith.constant 0 : index
    %swap3A_150 = vector.load %arg3[%swap3A_146, %swap3A_147, %swap3A_148, %swap3A_149] : memref<1x6x288x128xf32, #tpu.memory_space<vmem>>, vector<1x1x288x128xf32>
    %swap3A_151 = vector.shape_cast %swap3A_150 : vector<1x1x288x128xf32> to vector<288x128xf32>
    %swap3A_152 = vector.shape_cast %broadcast_in_dim3A_145 : vector<288x128xf32> to vector<1x1x288x128xf32>
    tpu.vector_store %arg3[%swap3A_146, %swap3A_147, %swap3A_148, %swap3A_149], %swap3A_152 {strides = array<i32>} : memref<1x6x288x128xf32, #tpu.memory_space<vmem>>, vector<1x1x288x128xf32>,
    return
  }
  func.func @transform_0(%arg0: i32) -> (i32, i32, i32) {
    %c0_i32 = arith.constant 0 : i32
    %c0_i32_0 = arith.constant 0 : i32
    %c0_i32_1 = arith.constant 0 : i32
    %c0_i32_2 = arith.constant 0 : i32
    return %c0_i32, %c0_i32_0, %c0_i32_1 : i32, i32, i32
  }
  func.func @transform_1(%arg0: i32) -> (i32, i32, i32, i32) {
    %c0_i32 = arith.constant 0 : i32
    %c0_i32_0 = arith.constant 0 : i32
    %c0_i32_1 = arith.constant 0 : i32
    %c0_i32_2 = arith.constant 0 : i32
    return %arg0, %c0_i32, %c0_i32_0, %c0_i32_1 : i32, i32, i32, i32
  }
  func.func @transform_2(%arg0: i32) -> (i32, i32, i32, i32) {
    %c0_i32 = arith.constant 0 : i32
    %c0_i32_0 = arith.constant 0 : i32
    %c0_i32_1 = arith.constant 0 : i32
    %c0_i32_2 = arith.constant 0 : i32
    return %arg0, %c0_i32, %c0_i32_0, %c0_i32_1 : i32, i32, i32, i32
  }
}

module attributes {stable_mosaic.version = 14 : i64} {
  func.func @_nms_kernel(%arg0: i32, %arg1: memref<1x5x8x256xf32, #tpu.memory_space<vmem>>, %arg2: memref<1x1x8x256xf32, #tpu.memory_space<vmem>>) attributes {dimension_semantics = [#tpu.dimension_semantics<arbitrary>], iteration_bounds = array<i64: 2>, scalar_prefetch = 0 : i64, scratch_operands = 0 : i64, tpu.core_type = #tpu.core_type<tc>, window_params = [{transform_indices = @transform_0, window_bounds = array<i64: 1, 5, 8, 256>}, {transform_indices = @transform_1, window_bounds = array<i64: 1, 1, 8, 256>}]} {
    %get3A = arith.constant 0 : index
    %get3A_0 = arith.constant 0 : index
    %get3A_1 = arith.constant 0 : index
    %get3A_2 = arith.constant 0 : index
    %get3A_3 = vector.load %arg1[%get3A, %get3A_0, %get3A_1, %get3A_2] : memref<1x5x8x256xf32, #tpu.memory_space<vmem>>, vector<1x1x8x256xf32>
    %get3A_4 = vector.shape_cast %get3A_3 : vector<1x1x8x256xf32> to vector<8x256xf32>
    %get3A_5 = arith.constant 0 : index
    %get3A_6 = arith.constant 1 : index
    %get3A_7 = arith.constant 0 : index
    %get3A_8 = arith.constant 0 : index
    %get3A_9 = vector.load %arg1[%get3A_5, %get3A_6, %get3A_7, %get3A_8] : memref<1x5x8x256xf32, #tpu.memory_space<vmem>>, vector<1x1x8x256xf32>
    %get3A_10 = vector.shape_cast %get3A_9 : vector<1x1x8x256xf32> to vector<8x256xf32>
    %get3A_11 = arith.constant 0 : index
    %get3A_12 = arith.constant 2 : index
    %get3A_13 = arith.constant 0 : index
    %get3A_14 = arith.constant 0 : index
    %get3A_15 = vector.load %arg1[%get3A_11, %get3A_12, %get3A_13, %get3A_14] : memref<1x5x8x256xf32, #tpu.memory_space<vmem>>, vector<1x1x8x256xf32>
    %get3A_16 = vector.shape_cast %get3A_15 : vector<1x1x8x256xf32> to vector<8x256xf32>
    %get3A_17 = arith.constant 0 : index
    %get3A_18 = arith.constant 3 : index
    %get3A_19 = arith.constant 0 : index
    %get3A_20 = arith.constant 0 : index
    %get3A_21 = vector.load %arg1[%get3A_17, %get3A_18, %get3A_19, %get3A_20] : memref<1x5x8x256xf32, #tpu.memory_space<vmem>>, vector<1x1x8x256xf32>
    %get3A_22 = vector.shape_cast %get3A_21 : vector<1x1x8x256xf32> to vector<8x256xf32>
    %get3A_23 = arith.constant 0 : index
    %get3A_24 = arith.constant 4 : index
    %get3A_25 = arith.constant 0 : index
    %get3A_26 = arith.constant 0 : index
    %get3A_27 = vector.load %arg1[%get3A_23, %get3A_24, %get3A_25, %get3A_26] : memref<1x5x8x256xf32, #tpu.memory_space<vmem>>, vector<1x1x8x256xf32>
    %get3A_28 = vector.shape_cast %get3A_27 : vector<1x1x8x256xf32> to vector<8x256xf32>
    %sub3A = arith.subf %get3A_16, %get3A_4 : vector<8x256xf32>
    %add3A = arith.constant 1.000000e+00 : f32
    %add3A_29 = vector.broadcast %add3A : f32 to vector<8x256xf32>
    %add3A_30 = arith.addf %sub3A, %add3A_29 : vector<8x256xf32>
    %sub3A_31 = arith.subf %get3A_22, %get3A_10 : vector<8x256xf32>
    %add3A_32 = arith.constant 1.000000e+00 : f32
    %add3A_33 = vector.broadcast %add3A_32 : f32 to vector<8x256xf32>
    %add3A_34 = arith.addf %sub3A_31, %add3A_33 : vector<8x256xf32>
    %mul3A = arith.mulf %add3A_30, %add3A_34 : vector<8x256xf32>
    %iota3A = tpu.iota {dimensions = array<i32: 0>} : vector<8x256xi32>
    %iota3A_35 = tpu.iota {dimensions = array<i32: 1>} : vector<8x256xi32>
    %mul3A_36 = arith.constant 256 : i32
    %mul3A_37 = vector.broadcast %mul3A_36 : i32 to vector<8x256xi32>
    %mul3A_38 = arith.muli %iota3A, %mul3A_37 : vector<8x256xi32>
    %add3A_39 = arith.addi %mul3A_38, %iota3A_35 : vector<8x256xi32>
    %sub3A_40 = arith.constant 1.000000e+00 : f32
    %sub3A_41 = vector.broadcast %sub3A_40 : f32 to vector<8x256xf32>
    %sub3A_42 = arith.subf %sub3A_41, %get3A_28 : vector<8x256xf32>
    %broadcast_in_dim3A = arith.constant 0.000000e+00 : f32
    %broadcast_in_dim3A_43 = vector.broadcast %broadcast_in_dim3A : f32 to vector<8x256xf32>
    %scan3A = arith.constant 0 : i32
    %scan3A_44 = arith.constant 2000 : i32
    %scan3A_45 = arith.addi %scan3A, %scan3A_44 : i32
    %scan3A_46 = arith.constant 1 : i32
    %scan3A_47:2 = scf.for %scan3A_55 = %scan3A to %scan3A_45 step %scan3A_46 iter_args(%scan3A_56 = %sub3A_42, %scan3A_57 = %broadcast_in_dim3A_43) -> (vector<8x256xf32>, vector<8x256xf32>)  : i32 {
      %eq3A = vector.broadcast %scan3A_55 : i32 to vector<8x256xi32>
      %eq3A_58 = arith.cmpi eq, %add3A_39, %eq3A : vector<8x256xi32>
      %jit3A = arith.constant 0.000000e+00 : f32
      %broadcast_in_dim3A_59 = vector.broadcast %jit3A : f32 to vector<8x256xf32>
      %select_n3A = arith.select %eq3A_58, %scan3A_56, %broadcast_in_dim3A_59 : vector<8x256xi1>, vector<8x256xf32>
      %reduce_sum3A = vector.shape_cast %select_n3A : vector<8x256xf32> to vector<1x8x256xf32>
      %reduce_sum3A_60 = arith.constant dense<0.000000e+00> : vector<1xf32>
      %reduce_sum3A_61 = vector.multi_reduction <add>, %reduce_sum3A, %reduce_sum3A_60 [1, 2] : vector<1x8x256xf32> to vector<1xf32>
      %reduce_sum3A_62 = vector.shape_cast %reduce_sum3A_61 : vector<1xf32> to vector<1x1x1xf32>
      %reduce_sum3A_63 = vector.extract %reduce_sum3A_62[0, 0, 0] : f32 from vector<1x1x1xf32>
      %sub3A_64 = arith.constant 1.000000e+00 : f32
      %sub3A_65 = arith.subf %sub3A_64, %reduce_sum3A_63 : f32
      %jit3A_66 = arith.constant 0.000000e+00 : f32
      %broadcast_in_dim3A_67 = vector.broadcast %jit3A_66 : f32 to vector<8x256xf32>
      %select_n3A_68 = arith.select %eq3A_58, %get3A_4, %broadcast_in_dim3A_67 : vector<8x256xi1>, vector<8x256xf32>
      %reduce_sum3A_69 = vector.shape_cast %select_n3A_68 : vector<8x256xf32> to vector<1x8x256xf32>
      %reduce_sum3A_70 = arith.constant dense<0.000000e+00> : vector<1xf32>
      %reduce_sum3A_71 = vector.multi_reduction <add>, %reduce_sum3A_69, %reduce_sum3A_70 [1, 2] : vector<1x8x256xf32> to vector<1xf32>
      %reduce_sum3A_72 = vector.shape_cast %reduce_sum3A_71 : vector<1xf32> to vector<1x1x1xf32>
      %reduce_sum3A_73 = vector.extract %reduce_sum3A_72[0, 0, 0] : f32 from vector<1x1x1xf32>
      %jit3A_74 = arith.constant 0.000000e+00 : f32
      %broadcast_in_dim3A_75 = vector.broadcast %jit3A_74 : f32 to vector<8x256xf32>
      %select_n3A_76 = arith.select %eq3A_58, %get3A_10, %broadcast_in_dim3A_75 : vector<8x256xi1>, vector<8x256xf32>
      %reduce_sum3A_77 = vector.shape_cast %select_n3A_76 : vector<8x256xf32> to vector<1x8x256xf32>
      %reduce_sum3A_78 = arith.constant dense<0.000000e+00> : vector<1xf32>
      %reduce_sum3A_79 = vector.multi_reduction <add>, %reduce_sum3A_77, %reduce_sum3A_78 [1, 2] : vector<1x8x256xf32> to vector<1xf32>
      %reduce_sum3A_80 = vector.shape_cast %reduce_sum3A_79 : vector<1xf32> to vector<1x1x1xf32>
      %reduce_sum3A_81 = vector.extract %reduce_sum3A_80[0, 0, 0] : f32 from vector<1x1x1xf32>
      %jit3A_82 = arith.constant 0.000000e+00 : f32
      %broadcast_in_dim3A_83 = vector.broadcast %jit3A_82 : f32 to vector<8x256xf32>
      %select_n3A_84 = arith.select %eq3A_58, %get3A_16, %broadcast_in_dim3A_83 : vector<8x256xi1>, vector<8x256xf32>
      %reduce_sum3A_85 = vector.shape_cast %select_n3A_84 : vector<8x256xf32> to vector<1x8x256xf32>
      %reduce_sum3A_86 = arith.constant dense<0.000000e+00> : vector<1xf32>
      %reduce_sum3A_87 = vector.multi_reduction <add>, %reduce_sum3A_85, %reduce_sum3A_86 [1, 2] : vector<1x8x256xf32> to vector<1xf32>
      %reduce_sum3A_88 = vector.shape_cast %reduce_sum3A_87 : vector<1xf32> to vector<1x1x1xf32>
      %reduce_sum3A_89 = vector.extract %reduce_sum3A_88[0, 0, 0] : f32 from vector<1x1x1xf32>
      %jit3A_90 = arith.constant 0.000000e+00 : f32
      %broadcast_in_dim3A_91 = vector.broadcast %jit3A_90 : f32 to vector<8x256xf32>
      %select_n3A_92 = arith.select %eq3A_58, %get3A_22, %broadcast_in_dim3A_91 : vector<8x256xi1>, vector<8x256xf32>
      %reduce_sum3A_93 = vector.shape_cast %select_n3A_92 : vector<8x256xf32> to vector<1x8x256xf32>
      %reduce_sum3A_94 = arith.constant dense<0.000000e+00> : vector<1xf32>
      %reduce_sum3A_95 = vector.multi_reduction <add>, %reduce_sum3A_93, %reduce_sum3A_94 [1, 2] : vector<1x8x256xf32> to vector<1xf32>
      %reduce_sum3A_96 = vector.shape_cast %reduce_sum3A_95 : vector<1xf32> to vector<1x1x1xf32>
      %reduce_sum3A_97 = vector.extract %reduce_sum3A_96[0, 0, 0] : f32 from vector<1x1x1xf32>
      %jit3A_98 = arith.constant 0.000000e+00 : f32
      %broadcast_in_dim3A_99 = vector.broadcast %jit3A_98 : f32 to vector<8x256xf32>
      %select_n3A_100 = arith.select %eq3A_58, %mul3A, %broadcast_in_dim3A_99 : vector<8x256xi1>, vector<8x256xf32>
      %reduce_sum3A_101 = vector.shape_cast %select_n3A_100 : vector<8x256xf32> to vector<1x8x256xf32>
      %reduce_sum3A_102 = arith.constant dense<0.000000e+00> : vector<1xf32>
      %reduce_sum3A_103 = vector.multi_reduction <add>, %reduce_sum3A_101, %reduce_sum3A_102 [1, 2] : vector<1x8x256xf32> to vector<1xf32>
      %reduce_sum3A_104 = vector.shape_cast %reduce_sum3A_103 : vector<1xf32> to vector<1x1x1xf32>
      %reduce_sum3A_105 = vector.extract %reduce_sum3A_104[0, 0, 0] : f32 from vector<1x1x1xf32>
      %broadcast_in_dim3A_106 = vector.broadcast %sub3A_65 : f32 to vector<8x256xf32>
      %select_n3A_107 = arith.select %eq3A_58, %broadcast_in_dim3A_106, %scan3A_57 : vector<8x256xi1>, vector<8x256xf32>
      %max3A = vector.broadcast %reduce_sum3A_73 : f32 to vector<8x256xf32>
      %max3A_108 = arith.maximumf %max3A, %get3A_4 : vector<8x256xf32>
      %max3A_109 = vector.broadcast %reduce_sum3A_81 : f32 to vector<8x256xf32>
      %max3A_110 = arith.maximumf %max3A_109, %get3A_10 : vector<8x256xf32>
      %min3A = vector.broadcast %reduce_sum3A_89 : f32 to vector<8x256xf32>
      %min3A_111 = arith.minimumf %min3A, %get3A_16 : vector<8x256xf32>
      %min3A_112 = vector.broadcast %reduce_sum3A_97 : f32 to vector<8x256xf32>
      %min3A_113 = arith.minimumf %min3A_112, %get3A_22 : vector<8x256xf32>
      %sub3A_114 = arith.subf %min3A_111, %max3A_108 : vector<8x256xf32>
      %add3A_115 = arith.constant 1.000000e+00 : f32
      %add3A_116 = vector.broadcast %add3A_115 : f32 to vector<8x256xf32>
      %add3A_117 = arith.addf %sub3A_114, %add3A_116 : vector<8x256xf32>
      %max3A_118 = arith.constant 0.000000e+00 : f32
      %max3A_119 = vector.broadcast %max3A_118 : f32 to vector<8x256xf32>
      %max3A_120 = arith.maximumf %max3A_119, %add3A_117 : vector<8x256xf32>
      %sub3A_121 = arith.subf %min3A_113, %max3A_110 : vector<8x256xf32>
      %add3A_122 = arith.constant 1.000000e+00 : f32
      %add3A_123 = vector.broadcast %add3A_122 : f32 to vector<8x256xf32>
      %add3A_124 = arith.addf %sub3A_121, %add3A_123 : vector<8x256xf32>
      %max3A_125 = arith.constant 0.000000e+00 : f32
      %max3A_126 = vector.broadcast %max3A_125 : f32 to vector<8x256xf32>
      %max3A_127 = arith.maximumf %max3A_126, %add3A_124 : vector<8x256xf32>
      %mul3A_128 = arith.mulf %max3A_120, %max3A_127 : vector<8x256xf32>
      %add3A_129 = vector.broadcast %reduce_sum3A_105 : f32 to vector<8x256xf32>
      %add3A_130 = arith.addf %add3A_129, %mul3A : vector<8x256xf32>
      %sub3A_131 = arith.subf %add3A_130, %mul3A_128 : vector<8x256xf32>
      %div3A = arith.divf %mul3A_128, %sub3A_131 : vector<8x256xf32>
      %gt3A = arith.constant 0.699999988 : f32
      %gt3A_132 = vector.broadcast %gt3A : f32 to vector<8x256xf32>
      %gt3A_133 = arith.cmpf ogt, %div3A, %gt3A_132 : vector<8x256xf32>
      %gt3A_134 = vector.broadcast %scan3A_55 : i32 to vector<8x256xi32>
      %gt3A_135 = arith.cmpi sgt, %add3A_39, %gt3A_134 : vector<8x256xi32>
      %and3A = arith.andi %gt3A_133, %gt3A_135 : vector<8x256xi1>
      %convert_element_type3A = arith.extui %and3A : vector<8x256xi1> to vector<8x256xi32>
      %convert_element_type3A_136 = arith.sitofp %convert_element_type3A : vector<8x256xi32> to vector<8x256xf32>
      %mul3A_137 = vector.broadcast %sub3A_65 : f32 to vector<8x256xf32>
      %mul3A_138 = arith.mulf %mul3A_137, %convert_element_type3A_136 : vector<8x256xf32>
      %max3A_139 = arith.maximumf %scan3A_56, %mul3A_138 : vector<8x256xf32>
      scf.yield %max3A_139, %select_n3A_107 : vector<8x256xf32>, vector<8x256xf32>
    }
    %scan3A_48 = arith.constant 2000 : i32
    %swap3A = arith.constant 0 : index
    %swap3A_49 = arith.constant 0 : index
    %swap3A_50 = arith.constant 0 : index
    %swap3A_51 = arith.constant 0 : index
    %swap3A_52 = vector.load %arg2[%swap3A, %swap3A_49, %swap3A_50, %swap3A_51] : memref<1x1x8x256xf32, #tpu.memory_space<vmem>>, vector<1x1x8x256xf32>
    %swap3A_53 = vector.shape_cast %swap3A_52 : vector<1x1x8x256xf32> to vector<8x256xf32>
    %swap3A_54 = vector.shape_cast %scan3A_47#1 : vector<8x256xf32> to vector<1x1x8x256xf32>
    tpu.vector_store %arg2[%swap3A, %swap3A_49, %swap3A_50, %swap3A_51], %swap3A_54 {strides = array<i32>} : memref<1x1x8x256xf32, #tpu.memory_space<vmem>>, vector<1x1x8x256xf32>,
    return
  }
  func.func @transform_0(%arg0: i32) -> (i32, i32, i32, i32) {
    %c0_i32 = arith.constant 0 : i32
    %c0_i32_0 = arith.constant 0 : i32
    %c0_i32_1 = arith.constant 0 : i32
    %c0_i32_2 = arith.constant 0 : i32
    return %arg0, %c0_i32, %c0_i32_0, %c0_i32_1 : i32, i32, i32, i32
  }
  func.func @transform_1(%arg0: i32) -> (i32, i32, i32, i32) {
    %c0_i32 = arith.constant 0 : i32
    %c0_i32_0 = arith.constant 0 : i32
    %c0_i32_1 = arith.constant 0 : i32
    %c0_i32_2 = arith.constant 0 : i32
    return %arg0, %c0_i32, %c0_i32_0, %c0_i32_1 : i32, i32, i32, i32
  }
}

</mosaic_0001>

<sc_bundles>
// kernel: gather_offload_async_start.1
scs
__scs_entry_jumppad:
0x0: {  	(pc) =	sbr.rel $0x88, $3  }
0x1: {  	(tag) =	ssettag $0x0;
	lr =	simm.s32 $0x1  }
0x2: {  	[smem:$0x3F9A] =	sst lr;
	_ =	strace $0xD0000000  }
0x3: {  	_ = 	snop  }
0x4: {  	_ = 	snop  }
0x5: {  	_ = 	snop  }
0x6: {  	_ = 	snop  }
0x7: {  	_ = 	snop  }
__scs_overlays_trampoline_lowered:
0x8: {  	[smem:$0x3FA9] =	sst s0  }
0x9: {  	[smem:$0x3FAA] =	sst s1  }
0xa: {  	[smem:$0x3FAB] =	sst s2  }
0xb: {  	[smem:$0x3FAC] =	sst s3  }
0xc: {  	[smem:$0x3FAD] =	sst s4  }
0xd: {  	[smem:$0x3FAE] =	sst s5  }
0xe: {  	[smem:$0x3FAF] =	sst s6  }
0xf: {  	[smem:$0x3FB0] =	sst s7  }
0x10: {  	[smem:$0x3FB1] =	sst s8  }
0x11: {  	[smem:$0x3FB2] =	sst s9;
	s0 =	simm.s32 @!p0 $0x0  }
0x12: {  	s1 =	sld [smem:$0x3F98];
	s0 =	simm.s32 @p0 $0x1  }
0x13: {  	[smem:$0x3FB3] =	sst s0;
	s0 =	simm.s32 @!p1 $0x0  }
0x14: {  	s2 =	sld [smem:$0x3F97];
	s0 =	simm.s32 @p1 $0x1  }
0x15: {  	[smem:$0x3FB4] =	sst s0;
	s0 =	simm.s32 @!p2 $0x0  }
0x16: {  	s3 =	sld [smem:$0x3FDB];
	s0 =	simm.s32 @p2 $0x1  }
0x17: {  	s4 =	simm.s32 $0x1BF5;
	[smem:$0x3FB6] =	sst s0  }
0x18: {  	s0 =	sld [smem:$0x3F99];
	_ =	swait.ge [sflag:s4], $0x0  }
0x19: {  	s7 =	sld [smem:$0x3F9A]  }
0x1a: {  	s8 =	sadd.s32 $0xFFFFE003, lr  }
0x1b: {  	s9 =	sadd.s32 $0xFFFFFEF7, lr;
	s5 =	simm.s32 $0xFFFFFFFF;
	p2 =	slt.u32 s8, $0xFFFFF086  }
0x1c: {  	p1 =	slt.u32 s9, $0xF7A;
	s5 =	simm.s32 @!p2 $0x0  }
0x1d: {  	s5 =	simm.s32 @p1 $0x1;
	p0 =	seq.s32 s7, s2  }
0x1e: {  	s7 =	smul.u32 @!p0 $0xF7A, s2;
	p2 =	seq.s32 @!p0 s5, $0x0  }
0x1f: {  	s9 =	smul.u32 $0xF7A, s1;
	s8 =	simm.s32 @!p0 $0x1BF5;
	p2 =	por !p2, p0  }
0x20: {  	[sflag:s8] =	ssyncset.s32 @!p0 $0xFFFFF086;
	s6 =	sadd.s32 @!p0 s3, s7;
	s7 =	simm.s32 @!p0 $0x108  }
0x21: {  	s3 =	sadd.s32 s3, s9;
	s6 =	sadd.s32 @!p0 $0x88, s6;
	s7 =	simm.s32 @p2 $0x1082  }
0x22: {  	[simem:s7], [sflag:s8] =	dma.local @!p0 [hbm:s6], $0xF7A  }
0x23: {  	s9 =	sor.u32 $0xD0000000, s2;
	s6 =	simm.s32 $0x108;
	_ =	swait.ge @!p0 [sflag:s8], $0x0  }
0x24: {  	s3 =	sadd.s32 $0x88, s3;
	s6 =	simm.s32 @!p1 $0x1082;
	[sflag:s4] =	ssyncset.s32 $0xFFFFF086  }
0x25: {  	[simem:s6], [sflag:s4] =	dma.local [hbm:s3], $0xF7A  }
0x26: {  	[smem:$0x3F9A] =	sst s1;
	(tag) =	ssettag s2;
	_ =	strace s9  }
0x27: {  	s1 =	sld [smem:$0x3FAA]  }
0x28: {  	s2 =	sld [smem:$0x3FAB]  }
0x29: {  	s4 =	sld [smem:$0x3FAD]  }
0x2a: {  	p0 =	seq.s32 s5, $0x0;
	s5 =	sld [smem:$0x3FAE]  }
0x2b: {  	s6 =	sld [smem:$0x3FAF]  }
0x2c: {  	s7 =	sld [smem:$0x3FB0]  }
0x2d: {  	s3 =	simm.s32 $0x108;
	s8 =	sld [smem:$0x3FB1]  }
0x2e: {  	s3 =	simm.s32 @!p0 $0x1082;
	s9 =	sld [smem:$0x3FB2]  }
0x2f: {  	lr =	sadd.s32 s0, s3;
	s0 =	sld [smem:$0x3FA9]  }
0x30: {  	s3 =	sld [smem:$0x3FAC]  }
0x31: {  	[smem:$0x3FB5] =	sst s10  }
0x32: {  	s10 =	sld [smem:$0x3FB3];
	_ =	sdelay $0x3  }
0x33: {  	p0 =	seq.s32 s10, $0x1;
	s10 =	sld [smem:$0x3FB5];
	_ =	sdelay $0x3  }
0x34: {  	[smem:$0x3FB5] =	sst s10  }
0x35: {  	s10 =	sld [smem:$0x3FB4];
	_ =	sdelay $0x3  }
0x36: {  	p1 =	seq.s32 s10, $0x1;
	s10 =	sld [smem:$0x3FB5];
	_ =	sdelay $0x3  }
0x37: {  	[smem:$0x3FB5] =	sst s10  }
0x38: {  	s10 =	sld [smem:$0x3FB6]  }
0x39: {  	_ = 	snop;
	(pc) =	sbr.ind lr, $3  }
0x3a: {  	_ = 	snop  }
0x3b: {  	_ = 	snop  }
0x3c: {  	p2 =	seq.s32 s10, $0x1;
	s10 =	sld [smem:$0x3FB5]  }
0x3d: {  	_ =	shalt  }
0x3e: {  	_ =	shalt  }
0x3f: {  	_ =	shalt  }
0x40: {  	_ =	shalt  }
0x41: {  	_ =	shalt  }
0x42: {  	_ =	shalt  }
0x43: {  	_ =	shalt  }
0x44: {  	_ =	shalt  }
0x45: {  	_ =	shalt  }
0x46: {  	_ =	shalt  }
0x47: {  	_ =	shalt  }
0x48: {  	_ =	shalt  }
0x49: {  	_ =	shalt  }
0x4a: {  	_ =	shalt  }
0x4b: {  	_ =	shalt  }
0x4c: {  	_ =	shalt  }
0x4d: {  	_ =	shalt  }
0x4e: {  	_ =	shalt  }
0x4f: {  	_ =	shalt  }
0x50: {  	_ =	shalt  }
0x51: {  	_ =	shalt  }
0x52: {  	_ =	shalt  }
0x53: {  	_ =	shalt  }
0x54: {  	_ =	shalt  }
0x55: {  	_ =	shalt  }
0x56: {  	_ =	shalt  }
0x57: {  	_ =	shalt  }
0x58: {  	_ =	shalt  }
0x59: {  	_ =	shalt  }
0x5a: {  	_ =	shalt  }
0x5b: {  	_ =	shalt  }
0x5c: {  	_ =	shalt  }
0x5d: {  	_ =	shalt  }
0x5e: {  	_ =	shalt  }
0x5f: {  	_ =	shalt  }
0x60: {  	_ =	shalt  }
0x61: {  	_ =	shalt  }
0x62: {  	_ =	shalt  }
0x63: {  	_ =	shalt  }
0x64: {  	_ =	shalt  }
0x65: {  	_ =	shalt  }
0x66: {  	_ =	shalt  }
0x67: {  	_ =	shalt  }
0x68: {  	_ =	shalt  }
0x69: {  	_ =	shalt  }
0x6a: {  	_ =	shalt  }
0x6b: {  	_ =	shalt  }
0x6c: {  	_ =	shalt  }
0x6d: {  	_ =	shalt  }
0x6e: {  	_ =	shalt  }
0x6f: {  	_ =	shalt  }
0x70: {  	_ =	shalt  }
0x71: {  	_ =	shalt  }
0x72: {  	_ =	shalt  }
0x73: {  	_ =	shalt  }
0x74: {  	_ =	shalt  }
0x75: {  	_ =	shalt  }
0x76: {  	_ =	shalt  }
0x77: {  	_ =	shalt  }
0x78: {  	_ =	shalt  }
0x79: {  	_ =	shalt  }
0x7a: {  	_ =	shalt  }
0x7b: {  	_ =	shalt  }
0x7c: {  	_ =	shalt  }
0x7d: {  	_ =	shalt  }
0x7e: {  	_ =	shalt  }
0x7f: {  	_ =	shalt  }
0x80: {  	_ =	shalt  }
0x81: {  	_ =	shalt  }
0x82: {  	_ =	shalt  }
0x83: {  	_ =	shalt  }
0x84: {  	_ =	shalt  }
0x85: {  	_ =	shalt  }
0x86: {  	_ =	shalt  }
0x87: {  	_ =	shalt  }
.Lfunc_end0:
.L_simem_size_0:
called_computation.1_lowered:
.L_overlay_start_0:
0x88: {  	s2 =	sld [smem:$0x3FD9]  }
0x89: {  	s3 =	sld [smem:$0x3FFE];
	_ =	sdelay $0x1  }
0x8a: {  	s1 =	srdreg.scid  }
0x8b: {  	s0 =	sand.u32 $0x1, s1  }
0x8c: {  	s17 =	sshll.u32 s0, $0xA;
	s2 =	sadd.s32 s3, s2  }
0x8d: {  	s2 =	sadd.s32 s2, s17  }
0x8e: {  	[smem:$0x3FC1] =	sst s2  }
0x8f: {  	_ = 	snop  }
0x90: {  	s2 =	sld [smem:$0x3FD0];
	(tm) =	ssettm $0x1  }
0x91: {  	s18 =	sld [smem:$0x3FFB];
	_ =	sdelay $0x3  }
0x92: {  	_ =	strace s18  }
0x93: {  	s3 =	sld [smem:$0x3FFC];
	_ =	sdelay $0x3  }
0x94: {  	_ =	strace s3  }
0x95: {  	s3 =	sld [smem:$0x3FFD];
	_ =	sdelay $0x3  }
0x96: {  	_ =	strace s3  }
0x97: {  	_ =	strace $0x8FFFFFFF  }
0x98: {  	s19 =	sld [smem:$0x3FDB];
	_ =	sdelay $0x1  }
0x99: {  	s4 =	simm.s32 $_scs_section_size  }
0x9a: {  	s5 =	simm.s32 $_size__tile_overlayer_lowered;
	s6 =	simm.s32 $_tile_overlayer_lowered  }
0x9b: {  	s22 =	simm.s32 $0x1BFF;
	s21 =	sshll.u32 s6, $0x1;
	s3 =	sadd.s32 s4, s19  }
0x9c: {  	s7 =	simm.s32 $0x0;
	s20 =	sshll.u32 s5, $0x1;
	s5 =	sadd.s32 s21, s3  }
0x9d: {  	[timem:s7], [sflag:s22] =	dma.local [hbm:s5], s20  }
0x9e: {  	_ =	swait.ge [sflag:s22], s20  }
0x9f: {  	s4 =	ssub.s32 $0x0, s20;
	[sflag:s22] =	ssyncset.done $0x0  }
0xa0: {  	[sflag:s22] =	ssyncadd.s32 s4;
	_ =	sdelay $0x1  }
0xa1: {  	s23 =	simm.s32 $0x1B8B  }
0xa2: {  	_ =	swait.ge [sflag:s23], $0x1  }
0xa3: {  	[sflag:s23] =	ssyncset.done $0x0  }
0xa4: {  	s25 =	simm.s32 $0x1B8E;
	s24 =	sld [smem:$0x3FFE];
	[sflag:s23] =	ssyncadd.s32 $0xFFFFFFFF  }
0xa5: {  	s26 =	simm.s32 $execute0_lowered;
	[smem:$0x3FD2] =	sst s25  }
0xa6: {  	s5 =	sshll.u32 s26, $0x1;
	_ =	strace $0x80000049;
	[dreg:$0x1] =	wrdreg $0xFFFFFFFF  }
0xa7: {  	s28 =	simm.s32 $_size_execute0_lowered;
	s3 =	sadd.s32 s3, s5;
	[dreg:$0x0] =	wrdreg $0x0  }
0xa8: {  	s5 =	sshll.u32 s28, $0x1;
	[dreg:$0x2] =	wrdreg s3  }
0xa9: {  	[dreg:$0x3] =	wrdreg s5  }
0xaa: {  	[dreg:$0x4] =	wrdreg $0xC0  }
0xab: {  	_ =	task [dreg:s7], $0x5FFFF  }
0xac: {  	[dreg:$0x1] =	wrdreg $0xFFFFFFFF  }
0xad: {  	[dreg:$0x0] =	wrdreg $0x60  }
0xae: {  	[dreg:$0x2] =	wrdreg s2  }
0xaf: {  	[dreg:$0x3] =	wrdreg s24  }
0xb0: {  	[dreg:$0x4] =	wrdreg $0x9  }
0xb1: {  	_ =	task.clear_ibuf [dreg:s7], $0x5FFFF;
	_ =	strace $0x90000049  }
0xb2: {  	s29 =	simm.s32 $0x9;
	_ =	strace $0x8000004B  }
0xb3: {  	_ =	swait.ge [sflag:s29], $0x1  }
0xb4: {  	[sflag:s29] =	ssyncadd.s32 $0xFFFFFFFF  }
0xb5: {  	_ =	strace $0x9000004B  }
0xb6: {  	_ =	sfence  }
0xb7: {  	s30 =	sld [smem:$0x0];
	_ =	sdelay $0x2  }
0xb8: {  	s31 =	sshll.u32 s1, $0xD;
	s1 =	sshrl.u32 s1, $0x2  }
0xb9: {  	s3 =	sand.u32 $0x4000, s31;
	s1 =	sadd.s32 s1, s30  }
0xba: {  	s0 =	sor.u32 s3, s0;
	s1 =	sshll.u32 s1, $0x11  }
0xbb: {  	s0 =	sor.u32 s1, s0  }
0xbc: {  	s0 =	sadd.s32 $0x8F2B, s0  }
0xbd: {  	[sflag:s0] =	ssyncadd.remote.s32 $0x1  }
0xbe: {  	_ =	sfence.sel $0xFFFF  }
0xbf: {  	[dreg:$0x0] =	wrdreg $0xFFFFFFFF;
	(pc) =	sbr.abs _section_cstart, $3  }
0xc0: {  	[dreg:$0x1] =	wrdreg $0xFFFFFFFF  }
0xc1: {  	_ =	task.clear_ibuf [dreg:s7], $0x2FFFF;
	_ =	strace $0x9FFFFFFF  }
0xc2: {  	(tm) =	ssettm $0x7FFFFFFF  }
0xc3: {  	_ =	shalt  }
tec
execute0_lowered:
.L_overlay_start_1:
0x0: {  	(tag) =	ssettag $0x1  }
0x1: {  	s2 =	rddreg [dreg:$0x0];
	s0 =	stileid.u32  }
0x2: {  	s1 =	srdreg.scid;
	s8 =	rddreg [dreg:$0x1]  }
0x3: {  	s5 =	simm.s32 $0x1;
	s9 =	simm.s32 $0x1;
	s10 =	simm.s32 $0x3  }
0x4: {  	s13 =	simm.s32 $0x0;
	s3 =	sand.u32 $0x1, s1;
	s4 =	sshll.u32 s0, $0x1  }
0x5: {  	s12 =	simm.s32 $0x0;
	s1 =	rddreg [dreg:$0x2];
	s6 =	sor.u32 s4, s3  }
0x6: {  	_ =	strace $0x8000004A;
	s3 =	sadd.s32 $0xFA00, s8;
	s4 =	smul.u32 $0x50, s6  }
0x7: {  	[sflag:s5] =	ssyncpa.u1 $0x0;
	p0 =	slt.u32 s6, $0x13;
	s6 =	simm.s32 $0xA00  }
.Ltmp0:
0x8: {  	s6 =	simm.s32 @!p0 $0x0;
	s7 =	ssub.s32 $0xFA0, s4;
	(pc) =	sbr.rel .LBB2_1-.Ltmp0, $4  }
0x9: {  	s9 =	simm.s32 @!p0 $0x0;
	p0 =	sne.s32 s7, s6;
	s7 =	simm.s32 $0x1  }
0xa: {  	s8 =	sadd.s32 $0xFC00, s8;
	s6 =	simm.s32 $0x2;
	s7 =	simm.s32 @!p0 $0x0  }
0xb: {  	s11 =	smov.u32 s4;
	[sflag:s6] =	ssyncpa.u1 $0x0;
	s7 =	sadd.s32 s9, s7  }
0xc: {  	vm0 =	vmmov $0xffff;
	[sflag:s10] =	ssyncpa.u1 $0x0;
	s10 =	simm.s32 $0x0;
	s9 =	sadd.s32 $0x1, s7  }
.LBB2_4:
0xd: {  	v5 =	vld.msk [tilespmem:s18+$0x0 ss:$0x1], $0xffff  }
0xe: {  	v6 =	vand.u32 $0x1, v1;
	v7 =	vshrl.u32 v1, $0x1  }
0xf: {  	v3 =	vor.u32 v4, v3;
	vm1 =	veq.s32 v1, $0x80000000;
	v53 =	vand.u32 $0x7FF, v7  }
0x10: {  	v2 =	vor.u32 v2, v3;
	v54 =	vsel vm1, $0xFFFFFFFF, v6;
	v1 =	vsel vm1, $0xFFFFFFFF, v53  }
0x11: {  	v6 =	vshll.u32 v54, $0x7;
	v3 =	vand.u32 $0xFFFFF000, v54;
	v55 =	vand.u32 $0x7F, v1  }
0x12: {  	v1 =	vshll.u32 v1, $0x1;
	v6 =	vand.u32 $0x80, v6;
	v56 =	vshrl.u32 v5, $0x1  }
0x13: {  	v1 =	vand.u32 $0xFFFFFF00, v1;
	vm1 =	veq.s32 v5, $0x80000000;
	v57 =	vand.u32 $0x7FF, v56  }
0x14: {  	v1 =	vadd.s32 v3, v1;
	v5 =	vand.u32 $0x1, v5;
	v3 =	vsel vm1, $0xFFFFFFFF, v57  }
0x15: {  	v1 =	vor.u32 v6, v1;
	v5 =	vsel vm1, $0xFFFFFFFF, v5;
	v58 =	vshll.u32 v3, $0x1  }
0x16: {  	v59 =	vshll.u32 v5, $0x7;
	v5 =	vand.u32 $0xFFFFF000, v5;
	v6 =	vand.u32 $0xFFFFFF00, v58  }
0x17: {  	v1 =	vor.u32 v55, v1;
	v61 =	vand.u32 $0x80, v59;
	v60 =	vadd.s32 v5, v6  }
0x18: {  	[tilespmem:s16], [sflag:$0x1] =	stream.indirect_vreg.gather [hbm4b:s2+s10], $0x1, v0, vm0, $0x4038;
	v62 =	vand.u32 $0x7F, v3;
	v63 =	vor.u32 v61, v60;
	[tilespmem:$0x140] =	vst v63  }
0x19: {  	(ifvalue) =	ssetifvalue $0x7FFFFFFF;
	v0 =	vor.u32 v62, v63  }
0x1a: {  	[tilespmem:s15], [sflag:$0x1] =	stream.indirect_vreg.gather [hbm4b:s2+s10], $0x1, v2, vm0, $0x4038;
	[tilespmem:$0x140] =	vst v63  }
0x1b: {  	s29 =	sadd.s32 $0x10, s15;
	(ifvalue) =	ssetifvalue $0x7FFFFFFF  }
0x1c: {  	[tilespmem:s29], [sflag:$0x1] =	stream.indirect_vreg.gather [hbm4b:s2+s10], $0x1, v1, vm0, $0x4038;
	[tilespmem:$0x140] =	vst v63  }
0x1d: {  	s15 =	sadd.s32 $0x10, s29;
	(ifvalue) =	ssetifvalue $0x7FFFFFFF  }
0x1e: {  	[tilespmem:s15], [sflag:$0x1] =	stream.indirect_vreg.gather [hbm4b:s2+s10], $0x1, v0, vm0, $0x4038;
	[tilespmem:$0x140] =	vst v63  }
0x1f: {  	_ =	swait.ge [sflag:s5], $0x50  }
0x20: {  	s30 =	sshrl.u32 s13, $0x3;
	[sflag:s5] =	ssyncset.done $0x0  }
0x21: {  	s31 =	sand.u32 $0x7, s13;
	s15 =	sadd.s32 s8, s30;
	[sflag:s5] =	ssyncadd.s32 $0xFFFFFFB0  }
0x22: {  	[hbm4b:s15+s31] =	stream.linear.scatter [tilespmem:s14], [sflag:$0x3], $0x50, $0x38;
	[tilespmem:$0x140] =	vst v63  }
.LBB2_5:
0x23: {  	s15 =	sadd.s32 $0xA00, s11  }
0x24: {  	p1 =	sgt.s32 s15, $0xF9F  }
0x25: {  	s15 =	smov.u32 @p1 s4;
	p1 =	sne.s32 s12, s9  }
.Ltmp1:
0x26: {  	p0 =	slt.u32 s12, $0x2;
	(pc) =	sbr.rel @!p1 .LBB2_6-.Ltmp1, $4  }
0x27: {  	s14 =	simm.s32 @!p0 $0x3  }
0x28: {  	_ =	swait.ge @!p0 [sflag:s14], $0x50  }
0x29: {  	s16 =	sadd.s32 $0x1, s12;
	s13 =	smov.u32 s11;
	[sflag:s14] =	ssyncset.done @!p0 $0x0  }
0x2a: {  	s12 =	smov.u32 s16;
	s11 =	smov.u32 s15;
	[sflag:s14] =	ssyncadd.s32 @!p0 $0xFFFFFFB0  }
.LBB2_1:
0x2b: {  	p0 =	sge.u32 s12, s7  }
0x2c: {  	s14 =	sxor.u32 @!p0 $0x1, s12  }
0x2d: {  	s14 =	smul.u32 @!p0 $0x140, s14  }
0x2e: {  	s31 =	sadd.s32 $0xFFFFFFFF, s12;
	s15 =	sshrl.u32 @!p0 s11, $0x3  }
0x2f: {  	s16 =	sand.u32 @!p0 $0x7, s11;
	s15 =	sadd.s32 @!p0 s3, s15;
	s14 =	sshra.s32 @!p0 s14, $0x2  }
0x30: {  	[tilespmem:s14], [sflag:$0x2] =	stream.linear.gather @!p0 [hbm4b:s15+s16], $0x50, $0x38;
	[tilespmem:$0x140] =	vst v63  }
0x31: {  	p0 =	sge.u32 s31, s7  }
.Ltmp2:
0x32: {  	_ = 	snop;
	(pc) =	sbr.rel @p0 .LBB2_5-.Ltmp2, $1  }
0x33: {  	_ =	sdelay $0x3  }
0x34: {  	s14 =	sand.u32 $0x1, s12  }
0x35: {  	_ =	swait.ge [sflag:s6], $0x50;
	p0 =	seq.s32 s14, $0x1;
	s14 =	simm.s32 $0x50  }
0x36: {  	[sflag:s6] =	ssyncset.done $0x0;
	s14 =	simm.s32 @!p0 $0x0  }
0x37: {  	[sflag:s6] =	ssyncadd.s32 $0xFFFFFFB0;
	(ifvalue) =	ssetifvalue $0x7FFFFFFF;
	v0 =	vld.msk [tilespmem:s14+$0x0 ss:$0x1], $0xffff;
	_ =	sdelay $0x4  }
0x38: {  	s15 =	sadd.s32 $0x10, s14;
	v2 =	vshrl.u32 v0, $0x1  }
0x39: {  	v1 =	vld.msk [tilespmem:s15+$0x0 ss:$0x1], $0xffff;
	vm1 =	veq.s32 v0, $0x80000000;
	v2 =	vand.u32 $0x7FF, v2  }
0x3a: {  	v0 =	vand.u32 $0x1, v0;
	v2 =	vsel vm1, $0xFFFFFFFF, v2  }
0x3b: {  	v0 =	vsel vm1, $0xFFFFFFFF, v0;
	v3 =	vshll.u32 v2, $0x1  }
0x3c: {  	v4 =	vand.u32 $0xFFFFF000, v0;
	v0 =	vshll.u32 v0, $0x7;
	v3 =	vand.u32 $0xFFFFFF00, v3  }
0x3d: {  	v0 =	vand.u32 $0x80, v0;
	v3 =	vadd.s32 v4, v3  }
0x3e: {  	v2 =	vand.u32 $0x7F, v2;
	v4 =	vshrl.u32 v1, $0x1;
	v0 =	vor.u32 v0, v3  }
0x3f: {  	vm1 =	veq.s32 v1, $0x80000000;
	v4 =	vand.u32 $0x7FF, v4;
	v0 =	vor.u32 v2, v0  }
0x40: {  	s15 =	sadd.s32 $0x10, s15;
	v1 =	vand.u32 $0x1, v1;
	v3 =	vsel vm1, $0xFFFFFFFF, v4  }
0x41: {  	s14 =	sor.u32 $0xA0, s14;
	v2 =	vsel vm1, $0xFFFFFFFF, v1;
	v1 =	vld.msk [tilespmem:s15+$0x0 ss:$0x1], $0xffff;
	v4 =	vshll.u32 v3, $0x1  }
0x42: {  	s17 =	simm.s32 $0x30;
	s16 =	smov.u32 s14;
	v5 =	vshll.u32 v2, $0x7;
	v6 =	vand.u32 $0xFFFFF000, v2;
	v4 =	vand.u32 $0xFFFFFF00, v4  }
0x43: {  	s18 =	sadd.s32 $0x10, s15;
	(ifvalue) =	ssetifvalue $0x7FFFFFFF;
	s15 =	sadd.s32 $0x10, s14;
	v2 =	vand.u32 $0x7F, v3;
	v3 =	vadd.s32 v6, v4;
	v4 =	vand.u32 $0x80, v5  }
.LBB2_3:
0x44: {  	[tilespmem:s16], [sflag:$0x1] =	stream.indirect_vreg.gather [hbm4b:s2+s10], $0x1, v0, vm0, $0x4038;
	[tilespmem:$0x140] =	vst v63  }
0x45: {  	s17 =	sadd.s32 $0x10, s17  }
0x46: {  	v5 =	vand.u32 $0x1, v1;
	v6 =	vshrl.u32 v1, $0x1;
	v3 =	vor.u32 v4, v3;
	v0 =	vmovc v1;
	v1 =	vld.msk [tilespmem:s18+$0x0 ss:$0x1], $0xffff;
	p0 =	slt.u32 s17, $0x40  }
.Ltmp3:
0x47: {  	s16 =	smov.u32 s15;
	vm1 =	veq.s32 v0, $0x80000000;
	v4 =	vand.u32 $0x7FF, v6;
	v0 =	vor.u32 v2, v3;
	(pc) =	sbr.rel @p0 .LBB2_3-.Ltmp3, $4  }
0x48: {  	v3 =	vsel vm1, $0xFFFFFFFF, v5;
	v4 =	vsel vm1, $0xFFFFFFFF, v4  }
0x49: {  	v2 =	vand.u32 $0x7F, v4;
	v4 =	vshll.u32 v4, $0x1;
	v5 =	vshll.u32 v3, $0x7  }
0x4a: {  	v3 =	vand.u32 $0xFFFFF000, v3;
	v4 =	vand.u32 $0xFFFFFF00, v4  }
0x4b: {  	s18 =	sadd.s32 $0x10, s18;
	s15 =	sadd.s32 $0x10, s15;
	v3 =	vadd.s32 v3, v4;
	v4 =	vand.u32 $0x80, v5;
	(ifvalue) =	ssetifvalue $0x7FFFFFFF  }
.Ltmp4:
0x4c: {  	_ = 	snop;
	(pc) =	sbr.rel .LBB2_4-.Ltmp4, $1  }
0x4d: {  	_ =	sdelay $0x3  }
.LBB2_6:
0x4e: {  	_ =	sfence.sel $0x180000  }
0x4f: {  	s2 =	simm.s32 $0x2;
	[bflag:$0x0] =	sbarrier.arrive $0xFFFF  }
0x50: {  	s30 =	simm.s32 $0x3;
	[sflag:s2] =	ssyncpa.u1 $0x1  }
0x51: {  	s31 =	simm.s32 $0x1;
	[sflag:s30] =	ssyncpa.u1 $0x1  }
0x52: {  	[sflag:s31] =	ssyncpa.u1 $0x1  }
0x53: {  	p0 =	sne.s32 s0, $0x0;
	_ =	strace $0x9000004A  }
0x54: {  	s0 =	sadd.s32 @!p0 $0x100000, s1;
	[bflag:$0x2] =	sbarrier.arrive $0xFFFF  }
0x55: {  	[sflag:s0] =	ssyncadd.tile.s32 @!p0 $0x1;
	_ =	shalt  }
.Lfunc_end2:
_tile_overlayer_lowered:
.L_overlay_start_2:
0x56: {  	(tag) =	ssettag $0x2  }
0x57: {  	s0 =	rddreg [dreg:$0x0];
	s2 =	stileid.u32  }
0x58: {  	s1 =	rddreg [dreg:$0x1];
	p0 =	sne.s32 s2, $0x0  }
0x59: {  	s3 =	rddreg [dreg:$0x2];
	[bflag:$0x3] =	sbarrier.arrive $0xFFFF;
	s2 =	simm.s32 @!p0 $0x1C01  }
0x5a: {  	[timem:s3], [sflag:s2] =	dma.local @!p0 [hbm:s0], s1  }
0x5b: {  	s0 =	simm.s32 @!p0 $0x1  }
0x5c: {  	_ =	swait.ge @!p0 [sflag:s0], s1  }
0x5d: {  	s1 =	ssub.s32 @!p0 $0x0, s1;
	[sflag:s0] =	ssyncset.done @!p0 $0x0  }
0x5e: {  	[sflag:s0] =	ssyncadd.s32 @!p0 s1  }
0x5f: {  	[bflag:$0x3] =	sbarrier.arrive $0xFFFF  }
0x60: {  	_ =	shalt  }

// kernel: gather_offload_async_start.2
scs
__scs_entry_jumppad:
0x0: {  	(pc) =	sbr.rel $0x88, $3  }
0x1: {  	(tag) =	ssettag $0x0;
	lr =	simm.s32 $0x1  }
0x2: {  	[smem:$0x3F9A] =	sst lr;
	_ =	strace $0xD0000000  }
0x3: {  	_ = 	snop  }
0x4: {  	_ = 	snop  }
0x5: {  	_ = 	snop  }
0x6: {  	_ = 	snop  }
0x7: {  	_ = 	snop  }
__scs_overlays_trampoline_lowered:
0x8: {  	[smem:$0x3FA9] =	sst s0  }
0x9: {  	[smem:$0x3FAA] =	sst s1  }
0xa: {  	[smem:$0x3FAB] =	sst s2  }
0xb: {  	[smem:$0x3FAC] =	sst s3  }
0xc: {  	[smem:$0x3FAD] =	sst s4  }
0xd: {  	[smem:$0x3FAE] =	sst s5  }
0xe: {  	[smem:$0x3FAF] =	sst s6  }
0xf: {  	[smem:$0x3FB0] =	sst s7  }
0x10: {  	[smem:$0x3FB1] =	sst s8  }
0x11: {  	[smem:$0x3FB2] =	sst s9;
	s0 =	simm.s32 @!p0 $0x0  }
0x12: {  	s1 =	sld [smem:$0x3F98];
	s0 =	simm.s32 @p0 $0x1  }
0x13: {  	[smem:$0x3FB3] =	sst s0;
	s0 =	simm.s32 @!p1 $0x0  }
0x14: {  	s2 =	sld [smem:$0x3F97];
	s0 =	simm.s32 @p1 $0x1  }
0x15: {  	[smem:$0x3FB4] =	sst s0;
	s0 =	simm.s32 @!p2 $0x0  }
0x16: {  	s3 =	sld [smem:$0x3FDB];
	s0 =	simm.s32 @p2 $0x1  }
0x17: {  	s4 =	simm.s32 $0x1BF5;
	[smem:$0x3FB6] =	sst s0  }
0x18: {  	s0 =	sld [smem:$0x3F99];
	_ =	swait.ge [sflag:s4], $0x0  }
0x19: {  	s7 =	sld [smem:$0x3F9A]  }
0x1a: {  	s8 =	sadd.s32 $0xFFFFE003, lr  }
0x1b: {  	s9 =	sadd.s32 $0xFFFFFEF7, lr;
	s5 =	simm.s32 $0xFFFFFFFF;
	p2 =	slt.u32 s8, $0xFFFFF086  }
0x1c: {  	p1 =	slt.u32 s9, $0xF7A;
	s5 =	simm.s32 @!p2 $0x0  }
0x1d: {  	s5 =	simm.s32 @p1 $0x1;
	p0 =	seq.s32 s7, s2  }
0x1e: {  	s7 =	smul.u32 @!p0 $0xF7A, s2;
	p2 =	seq.s32 @!p0 s5, $0x0  }
0x1f: {  	s9 =	smul.u32 $0xF7A, s1;
	s8 =	simm.s32 @!p0 $0x1BF5;
	p2 =	por !p2, p0  }
0x20: {  	[sflag:s8] =	ssyncset.s32 @!p0 $0xFFFFF086;
	s6 =	sadd.s32 @!p0 s3, s7;
	s7 =	simm.s32 @!p0 $0x108  }
0x21: {  	s3 =	sadd.s32 s3, s9;
	s6 =	sadd.s32 @!p0 $0x88, s6;
	s7 =	simm.s32 @p2 $0x1082  }
0x22: {  	[simem:s7], [sflag:s8] =	dma.local @!p0 [hbm:s6], $0xF7A  }
0x23: {  	s9 =	sor.u32 $0xD0000000, s2;
	s6 =	simm.s32 $0x108;
	_ =	swait.ge @!p0 [sflag:s8], $0x0  }
0x24: {  	s3 =	sadd.s32 $0x88, s3;
	s6 =	simm.s32 @!p1 $0x1082;
	[sflag:s4] =	ssyncset.s32 $0xFFFFF086  }
0x25: {  	[simem:s6], [sflag:s4] =	dma.local [hbm:s3], $0xF7A  }
0x26: {  	[smem:$0x3F9A] =	sst s1;
	(tag) =	ssettag s2;
	_ =	strace s9  }
0x27: {  	s1 =	sld [smem:$0x3FAA]  }
0x28: {  	s2 =	sld [smem:$0x3FAB]  }
0x29: {  	s4 =	sld [smem:$0x3FAD]  }
0x2a: {  	p0 =	seq.s32 s5, $0x0;
	s5 =	sld [smem:$0x3FAE]  }
0x2b: {  	s6 =	sld [smem:$0x3FAF]  }
0x2c: {  	s7 =	sld [smem:$0x3FB0]  }
0x2d: {  	s3 =	simm.s32 $0x108;
	s8 =	sld [smem:$0x3FB1]  }
0x2e: {  	s3 =	simm.s32 @!p0 $0x1082;
	s9 =	sld [smem:$0x3FB2]  }
0x2f: {  	lr =	sadd.s32 s0, s3;
	s0 =	sld [smem:$0x3FA9]  }
0x30: {  	s3 =	sld [smem:$0x3FAC]  }
0x31: {  	[smem:$0x3FB5] =	sst s10  }
0x32: {  	s10 =	sld [smem:$0x3FB3];
	_ =	sdelay $0x3  }
0x33: {  	p0 =	seq.s32 s10, $0x1;
	s10 =	sld [smem:$0x3FB5];
	_ =	sdelay $0x3  }
0x34: {  	[smem:$0x3FB5] =	sst s10  }
0x35: {  	s10 =	sld [smem:$0x3FB4];
	_ =	sdelay $0x3  }
0x36: {  	p1 =	seq.s32 s10, $0x1;
	s10 =	sld [smem:$0x3FB5];
	_ =	sdelay $0x3  }
0x37: {  	[smem:$0x3FB5] =	sst s10  }
0x38: {  	s10 =	sld [smem:$0x3FB6]  }
0x39: {  	_ = 	snop;
	(pc) =	sbr.ind lr, $3  }
0x3a: {  	_ = 	snop  }
0x3b: {  	_ = 	snop  }
0x3c: {  	p2 =	seq.s32 s10, $0x1;
	s10 =	sld [smem:$0x3FB5]  }
0x3d: {  	_ =	shalt  }
0x3e: {  	_ =	shalt  }
0x3f: {  	_ =	shalt  }
0x40: {  	_ =	shalt  }
0x41: {  	_ =	shalt  }
0x42: {  	_ =	shalt  }
0x43: {  	_ =	shalt  }
0x44: {  	_ =	shalt  }
0x45: {  	_ =	shalt  }
0x46: {  	_ =	shalt  }
0x47: {  	_ =	shalt  }
0x48: {  	_ =	shalt  }
0x49: {  	_ =	shalt  }
0x4a: {  	_ =	shalt  }
0x4b: {  	_ =	shalt  }
0x4c: {  	_ =	shalt  }
0x4d: {  	_ =	shalt  }
0x4e: {  	_ =	shalt  }
0x4f: {  	_ =	shalt  }
0x50: {  	_ =	shalt  }
0x51: {  	_ =	shalt  }
0x52: {  	_ =	shalt  }
0x53: {  	_ =	shalt  }
0x54: {  	_ =	shalt  }
0x55: {  	_ =	shalt  }
0x56: {  	_ =	shalt  }
0x57: {  	_ =	shalt  }
0x58: {  	_ =	shalt  }
0x59: {  	_ =	shalt  }
0x5a: {  	_ =	shalt  }
0x5b: {  	_ =	shalt  }
0x5c: {  	_ =	shalt  }
0x5d: {  	_ =	shalt  }
0x5e: {  	_ =	shalt  }
0x5f: {  	_ =	shalt  }
0x60: {  	_ =	shalt  }
0x61: {  	_ =	shalt  }
0x62: {  	_ =	shalt  }
0x63: {  	_ =	shalt  }
0x64: {  	_ =	shalt  }
0x65: {  	_ =	shalt  }
0x66: {  	_ =	shalt  }
0x67: {  	_ =	shalt  }
0x68: {  	_ =	shalt  }
0x69: {  	_ =	shalt  }
0x6a: {  	_ =	shalt  }
0x6b: {  	_ =	shalt  }
0x6c: {  	_ =	shalt  }
0x6d: {  	_ =	shalt  }
0x6e: {  	_ =	shalt  }
0x6f: {  	_ =	shalt  }
0x70: {  	_ =	shalt  }
0x71: {  	_ =	shalt  }
0x72: {  	_ =	shalt  }
0x73: {  	_ =	shalt  }
0x74: {  	_ =	shalt  }
0x75: {  	_ =	shalt  }
0x76: {  	_ =	shalt  }
0x77: {  	_ =	shalt  }
0x78: {  	_ =	shalt  }
0x79: {  	_ =	shalt  }
0x7a: {  	_ =	shalt  }
0x7b: {  	_ =	shalt  }
0x7c: {  	_ =	shalt  }
0x7d: {  	_ =	shalt  }
0x7e: {  	_ =	shalt  }
0x7f: {  	_ =	shalt  }
0x80: {  	_ =	shalt  }
0x81: {  	_ =	shalt  }
0x82: {  	_ =	shalt  }
0x83: {  	_ =	shalt  }
0x84: {  	_ =	shalt  }
0x85: {  	_ =	shalt  }
0x86: {  	_ =	shalt  }
0x87: {  	_ =	shalt  }
.Lfunc_end0:
.L_simem_size_0:
called_computation.2_lowered:
.L_overlay_start_0:
0x88: {  	s2 =	sld [smem:$0x3FD9]  }
0x89: {  	s3 =	sld [smem:$0x3FFE];
	_ =	sdelay $0x1  }
0x8a: {  	s1 =	srdreg.scid  }
0x8b: {  	s0 =	sand.u32 $0x1, s1  }
0x8c: {  	s17 =	sshll.u32 s0, $0xA;
	s2 =	sadd.s32 s3, s2  }
0x8d: {  	s2 =	sadd.s32 s2, s17  }
0x8e: {  	[smem:$0x3FC1] =	sst s2  }
0x8f: {  	_ = 	snop  }
0x90: {  	s2 =	sld [smem:$0x3FD0];
	(tm) =	ssettm $0x1  }
0x91: {  	s18 =	sld [smem:$0x3FFB];
	_ =	sdelay $0x3  }
0x92: {  	_ =	strace s18  }
0x93: {  	s3 =	sld [smem:$0x3FFC];
	_ =	sdelay $0x3  }
0x94: {  	_ =	strace s3  }
0x95: {  	s3 =	sld [smem:$0x3FFD];
	_ =	sdelay $0x3  }
0x96: {  	_ =	strace s3  }
0x97: {  	_ =	strace $0x8FFFFFFF  }
0x98: {  	s19 =	sld [smem:$0x3FDB];
	_ =	sdelay $0x1  }
0x99: {  	s4 =	simm.s32 $_scs_section_size  }
0x9a: {  	s5 =	simm.s32 $_size__tile_overlayer_lowered;
	s6 =	simm.s32 $_tile_overlayer_lowered  }
0x9b: {  	s22 =	simm.s32 $0x1BFF;
	s21 =	sshll.u32 s6, $0x1;
	s3 =	sadd.s32 s4, s19  }
0x9c: {  	s7 =	simm.s32 $0x0;
	s20 =	sshll.u32 s5, $0x1;
	s5 =	sadd.s32 s21, s3  }
0x9d: {  	[timem:s7], [sflag:s22] =	dma.local [hbm:s5], s20  }
0x9e: {  	_ =	swait.ge [sflag:s22], s20  }
0x9f: {  	s4 =	ssub.s32 $0x0, s20;
	[sflag:s22] =	ssyncset.done $0x0  }
0xa0: {  	[sflag:s22] =	ssyncadd.s32 s4;
	_ =	sdelay $0x1  }
0xa1: {  	s23 =	simm.s32 $0x1B8B  }
0xa2: {  	_ =	swait.ge [sflag:s23], $0x1  }
0xa3: {  	[sflag:s23] =	ssyncset.done $0x0  }
0xa4: {  	s25 =	simm.s32 $0x1B8E;
	s24 =	sld [smem:$0x3FFE];
	[sflag:s23] =	ssyncadd.s32 $0xFFFFFFFF  }
0xa5: {  	s26 =	simm.s32 $execute0_lowered;
	[smem:$0x3FD2] =	sst s25  }
0xa6: {  	s5 =	sshll.u32 s26, $0x1;
	_ =	strace $0x8000004C;
	[dreg:$0x1] =	wrdreg $0xFFFFFFFF  }
0xa7: {  	s28 =	simm.s32 $_size_execute0_lowered;
	s3 =	sadd.s32 s3, s5;
	[dreg:$0x0] =	wrdreg $0x0  }
0xa8: {  	s5 =	sshll.u32 s28, $0x1;
	[dreg:$0x2] =	wrdreg s3  }
0xa9: {  	[dreg:$0x3] =	wrdreg s5  }
0xaa: {  	[dreg:$0x4] =	wrdreg $0xC0  }
0xab: {  	_ =	task [dreg:s7], $0x5FFFF  }
0xac: {  	[dreg:$0x1] =	wrdreg $0xFFFFFFFF  }
0xad: {  	[dreg:$0x0] =	wrdreg $0x60  }
0xae: {  	[dreg:$0x2] =	wrdreg s24  }
0xaf: {  	[dreg:$0x3] =	wrdreg s2  }
0xb0: {  	[dreg:$0x4] =	wrdreg $0x9  }
0xb1: {  	_ =	task.clear_ibuf [dreg:s7], $0x5FFFF;
	_ =	strace $0x9000004C  }
0xb2: {  	s29 =	simm.s32 $0x9;
	_ =	strace $0x8000004E  }
0xb3: {  	_ =	swait.ge [sflag:s29], $0x1  }
0xb4: {  	[sflag:s29] =	ssyncadd.s32 $0xFFFFFFFF  }
0xb5: {  	_ =	strace $0x9000004E  }
0xb6: {  	_ =	sfence  }
0xb7: {  	s30 =	sld [smem:$0x0];
	_ =	sdelay $0x2  }
0xb8: {  	s31 =	sshll.u32 s1, $0xD;
	s1 =	sshrl.u32 s1, $0x2  }
0xb9: {  	s3 =	sand.u32 $0x4000, s31;
	s1 =	sadd.s32 s1, s30  }
0xba: {  	s0 =	sor.u32 s3, s0;
	s1 =	sshll.u32 s1, $0x11  }
0xbb: {  	s0 =	sor.u32 s1, s0  }
0xbc: {  	s0 =	sadd.s32 $0x8F2B, s0  }
0xbd: {  	[sflag:s0] =	ssyncadd.remote.s32 $0x1  }
0xbe: {  	_ =	sfence.sel $0xFFFF  }
0xbf: {  	[dreg:$0x0] =	wrdreg $0xFFFFFFFF;
	(pc) =	sbr.abs _section_cstart, $3  }
0xc0: {  	[dreg:$0x1] =	wrdreg $0xFFFFFFFF  }
0xc1: {  	_ =	task.clear_ibuf [dreg:s7], $0x2FFFF;
	_ =	strace $0x9FFFFFFF  }
0xc2: {  	(tm) =	ssettm $0x7FFFFFFF  }
0xc3: {  	_ =	shalt  }
tec
execute0_lowered:
.L_overlay_start_1:
0x0: {  	(tag) =	ssettag $0x1  }
0x1: {  	s0 =	srdreg.scid  }
0x2: {  	s1 =	sshll.u32 s0, $0x4  }
0x3: {  	s0 =	stileid.u32;
	s1 =	sand.u32 $0x10, s1  }
0x4: {  	s2 =	sor.u32 s0, s1  }
0x5: {  	s1 =	smin.u32 s2, $0x12  }
0x6: {  	s1 =	sadd.s32 s2, s1  }
0x7: {  	p0 =	slt.u32 s2, $0x12;
	s2 =	simm.s32 $0xA0;
	s1 =	smul.u32 $0x50, s1  }
0x8: {  	s2 =	simm.s32 @!p0 $0x50  }
0x9: {  	s2 =	sadd.s32 s2, s1  }
0xa: {  	s3 =	smin.u32 s2, $0xFA0  }
0xb: {  	s7 =	ssub.s32 s3, s1  }
0xc: {  	p0 =	sgt.s32 s7, $0x0  }
0xd: {  	s7 =	simm.s32 @!p0 $0x0  }
0xe: {  	s4 =	rddreg [dreg:$0x0];
	s31 =	smul.u32 $0xCCCD, s7  }
0xf: {  	s5 =	rddreg [dreg:$0x1]  }
0x10: {  	s6 =	simm.s32 $0x1;
	s10 =	simm.s32 $0x3;
	s8 =	sshrl.u32 s31, $0x16  }
0x11: {  	s13 =	simm.s32 $0x0;
	s12 =	simm.s32 $0x0;
	s9 =	smul.u32 $0x50, s8  }
.Ltmp0:
0x12: {  	s11 =	smov.u32 s1;
	s2 =	rddreg [dreg:$0x2];
	(pc) =	sbr.rel .LBB2_1-.Ltmp0, $4  }
0x13: {  	_ =	strace $0x8000004D;
	p0 =	sne.s32 s7, s9;
	s9 =	simm.s32 $0x1  }
0x14: {  	[sflag:s6] =	ssyncpa.u1 $0x0;
	s7 =	simm.s32 $0x2;
	s9 =	simm.s32 @!p0 $0x0  }
0x15: {  	[sflag:s7] =	ssyncpa.u1 $0x0;
	p0 =	por $0x0, $0x0;
	s8 =	sadd.s32 s8, s9  }
0x16: {  	v0 =	vimm.s32 $0x0;
	vm0 =	vmmov $0xff;
	vm1 =	vcmask $0x3F20;
	s9 =	sadd.s32 $0xFA00, s4;
	[sflag:s10] =	ssyncpa.u1 $0x0;
	s10 =	sadd.s32 $0x1, s8  }
.LBB2_6:
0x17: {  	[hbm:s17] =	stream.linear.scatter [tilespmem:s14], [sflag:$0x3], $0x400, $0x38;
	[tilespmem:$0x50A0] =	vst v63  }
.LBB2_7:
0x18: {  	s13 =	sadd.s32 $0x50, s11  }
0x19: {  	s15 =	smov.u32 s1;
	p2 =	slt.s32 s13, s3  }
0x1a: {  	s15 =	smov.u32 @p2 s13;
	p2 =	sne.s32 s12, s10  }
.Ltmp1:
0x1b: {  	p1 =	slt.u32 s12, $0x2;
	(pc) =	sbr.rel @!p2 .LBB2_8-.Ltmp1, $4  }
0x1c: {  	s14 =	simm.s32 @!p1 $0x3  }
0x1d: {  	s16 =	sadd.s32 $0x1, s12;
	_ =	swait.ge @!p1 [sflag:s14], $0x2800  }
0x1e: {  	p0 =	por !p0, !p0;
	s13 =	smov.u32 s11;
	[sflag:s14] =	ssyncset.done @!p1 $0x0  }
0x1f: {  	s12 =	smov.u32 s16;
	s11 =	smov.u32 s15;
	[sflag:s14] =	ssyncadd.s32 @!p1 $0xFFFFD800  }
.LBB2_1:
0x20: {  	p1 =	sge.u32 s12, s8  }
0x21: {  	s14 =	sxor.u32 @!p1 $0xFFFFFFFF, s12  }
0x22: {  	s14 =	sand.u32 @!p1 $0x1, s14  }
0x23: {  	s14 =	smul.u32 @!p1 $0x140, s14  }
0x24: {  	s31 =	sadd.s32 $0xFFFFFFFF, s12;
	s15 =	sshrl.u32 @!p1 s11, $0x3  }
0x25: {  	s16 =	sand.u32 @!p1 $0x7, s11;
	s15 =	sadd.s32 @!p1 s5, s15;
	s14 =	sshrl.u32 @!p1 s14, $0x2  }
0x26: {  	[tilespmem:s14], [sflag:$0x2] =	stream.linear.gather @!p1 [hbm4b:s15+s16], $0x50, $0x38;
	[tilespmem:$0x50A0] =	vst v63  }
0x27: {  	p1 =	sge.u32 s31, s8  }
.Ltmp2:
0x28: {  	_ = 	snop;
	(pc) =	sbr.rel @p1 .LBB2_7-.Ltmp2, $1  }
0x29: {  	_ =	sdelay $0x3  }
0x2a: {  	s14 =	simm.s32 $0x1  }
0x2b: {  	s14 =	simm.s32 @!p0 $0x0  }
0x2c: {  	s15 =	smul.u32 $0x140, s14  }
0x2d: {  	_ =	swait.ge [sflag:s7], $0x50  }
0x2e: {  	[sflag:s7] =	ssyncset.done $0x0;
	s16 =	sshrl.u32 s15, $0x2  }
0x2f: {  	[sflag:s7] =	ssyncadd.s32 $0xFFFFFFB0;
	s15 =	sadd.s32 $0x0, s16  }
0x30: {  	v1 =	vld.msk [tilespmem:s15+$0x0 ss:$0x1], $0xffff;
	_ =	sdelay $0x4  }
0x31: {  	v2 =	vand.u32 $0x1, v1;
	v3 =	vshll.u32 v1, $0x6  }
0x32: {  	vm2 =	veq.s32 v1, $0x80000000;
	vm3 =	veq.s32 v2, $0x1;
	v1 =	vand.u32 $0x3FF80, v3  }
0x33: {  	v2 =	vsel vm3, $0x3E800, v0;
	v1 =	vsel vm2, $0xFFFFFF80, v1  }
0x34: {  	v2 =	vsel vm2, $0xFFFC1800, v2;
	v3 =	vand.u32 $0xFFFFFC00, v1  }
0x35: {  	v1 =	vand.u32 $0x380, v1;
	v2 =	vadd.s32 v2, v3  }
0x36: {  	v1 =	vor.u32 v1, v2  }
0x37: {  	v1 =	vshrl.u32 v1, $0x3  }
0x38: {  	s14 =	smul.u32 $0xA000, s14;
	_ =	sdelay $0x1  }
0x39: {  	s14 =	sshrl.u32 s14, $0x2  }
0x3a: {  	s14 =	sor.u32 $0xA0, s14  }
0x3b: {  	[tilespmem:s14], [sflag:$0x1] =	stream.indirect_vreg.gather [hbm:s4], $0x80, v1, vm0, $0x38;
	[tilespmem:$0x50A0] =	vst v63  }
0x3c: {  	s17 =	sadd.s32 $0x10, s16;
	s15 =	sadd.s32 $0x400, s14  }
0x3d: {  	[tilespmem:s15], [sflag:$0x1] =	stream.indirect_vreg.gather [hbm:s4], $0x80, v1, vm1, $0x38;
	[tilespmem:$0x50A0] =	vst v63  }
0x3e: {  	s18 =	simm.s32 $0x80;
	v1 =	vld.msk [tilespmem:s17+$0x0 ss:$0x1], $0xffff;
	s17 =	smov.u32 s14  }
.LBB2_3:
0x3f: {  	p1 =	sne.s32 s18, $0x100;
	_ =	sdelay $0x4  }
0x40: {  	v2 =	vand.u32 $0x1, v1;
	v3 =	vshll.u32 v1, $0x6  }
0x41: {  	vm2 =	veq.s32 v1, $0x80000000;
	vm3 =	veq.s32 v2, $0x1;
	v1 =	vand.u32 $0x3FF80, v3  }
0x42: {  	v2 =	vsel vm3, $0x3E800, v0;
	v1 =	vsel vm2, $0xFFFFFF80, v1  }
0x43: {  	v2 =	vsel vm2, $0xFFFC1800, v2;
	v3 =	vand.u32 $0xFFFFFC00, v1  }
0x44: {  	v1 =	vand.u32 $0x380, v1;
	v2 =	vadd.s32 v2, v3  }
0x45: {  	v1 =	vor.u32 v1, v2  }
0x46: {  	v1 =	vshrl.u32 v1, $0x3;
	_ =	sdelay $0x3  }
.Ltmp3:
0x47: {  	s19 =	sshra.s32 s18, $0x2;
	s17 =	sadd.s32 $0x800, s17;
	(pc) =	sbr.rel @p1 .LBB2_3-.Ltmp3, $4  }
0x48: {  	[tilespmem:s17], [sflag:$0x1] =	stream.indirect_vreg.gather [hbm:s4], $0x80, v1, vm0, $0x38;
	[tilespmem:$0x50A0] =	vst v63  }
0x49: {  	s19 =	sadd.s32 s19, s16;
	s20 =	sadd.s32 $0x400, s17  }
0x4a: {  	[tilespmem:s20], [sflag:$0x1] =	stream.indirect_vreg.gather [hbm:s4], $0x80, v1, vm1, $0x38;
	[tilespmem:$0x50A0] =	vst v63  }
0x4b: {  	s18 =	sadd.s32 $0x40, s18;
	v1 =	vld.msk [tilespmem:s19+$0x0 ss:$0x1], $0xffff  }
0x4c: {  	_ =	sdelay $0x3  }
0x4d: {  	v2 =	vand.u32 $0x1, v1;
	v3 =	vshll.u32 v1, $0x6  }
0x4e: {  	vm2 =	veq.s32 v1, $0x80000000;
	vm3 =	veq.s32 v2, $0x1;
	v1 =	vand.u32 $0x3FF80, v3  }
0x4f: {  	v2 =	vsel vm3, $0x3E800, v0;
	v1 =	vsel vm2, $0xFFFFFF80, v1  }
0x50: {  	v2 =	vsel vm2, $0xFFFC1800, v2;
	v3 =	vand.u32 $0xFFFFFC00, v1  }
0x51: {  	v1 =	vand.u32 $0x380, v1;
	v2 =	vadd.s32 v2, v3  }
0x52: {  	v1 =	vor.u32 v1, v2  }
0x53: {  	v1 =	vshrl.u32 v1, $0x3;
	_ =	sdelay $0x3  }
0x54: {  	s16 =	sadd.s32 $0x800, s17  }
0x55: {  	[tilespmem:s16], [sflag:$0x1] =	stream.indirect_vreg.gather [hbm:s4], $0x80, v1, vm0, $0x38;
	[tilespmem:$0x50A0] =	vst v63  }
0x56: {  	s16 =	sadd.s32 $0x400, s16  }
0x57: {  	[tilespmem:s16], [sflag:$0x1] =	stream.indirect_vreg.gather [hbm:s4], $0x80, v1, vm1, $0x38;
	[tilespmem:$0x50A0] =	vst v63  }
0x58: {  	s13 =	sshll.u32 s13, $0x4;
	_ =	swait.ge [sflag:s6], $0x2800  }
0x59: {  	s13 =	sadd.s32 s13, s9;
	[sflag:s6] =	ssyncset.done $0x0  }
0x5a: {  	s17 =	sadd.s32 $0x0, s13;
	s16 =	simm.s32 $0x80;
	[sflag:s6] =	ssyncadd.s32 $0xFFFFD800  }
.LBB2_5:
0x5b: {  	[hbm:s17] =	stream.linear.scatter [tilespmem:s14], [sflag:$0x3], $0x400, $0x38;
	[tilespmem:$0x50A0] =	vst v63  }
0x5c: {  	s17 =	smov.u32 s16;
	s14 =	smov.u32 s15;
	p1 =	sne.s32 s16, $0x480  }
.Ltmp4:
0x5d: {  	s16 =	sadd.s32 $0x80, s16;
	(pc) =	sbr.rel @p1 .LBB2_5-.Ltmp4, $2  }
0x5e: {  	_ =	sdelay $0x2  }
0x5f: {  	s15 =	sadd.s32 $0x400, s15;
	s17 =	sadd.s32 s17, s13  }
.Ltmp5:
0x60: {  	_ = 	snop;
	(pc) =	sbr.rel .LBB2_6-.Ltmp5, $1  }
0x61: {  	_ =	sdelay $0x3  }
.LBB2_8:
0x62: {  	_ =	sfence.sel $0x180000  }
0x63: {  	s1 =	simm.s32 $0x2;
	[bflag:$0x0] =	sbarrier.arrive $0xFFFF  }
0x64: {  	s30 =	simm.s32 $0x3;
	[sflag:s1] =	ssyncpa.u1 $0x1  }
0x65: {  	s31 =	simm.s32 $0x1;
	[sflag:s30] =	ssyncpa.u1 $0x1  }
0x66: {  	[sflag:s31] =	ssyncpa.u1 $0x1  }
0x67: {  	p0 =	sne.s32 s0, $0x0;
	_ =	strace $0x9000004D  }
0x68: {  	s0 =	sadd.s32 @!p0 $0x100000, s2;
	[bflag:$0x2] =	sbarrier.arrive $0xFFFF  }
0x69: {  	[sflag:s0] =	ssyncadd.tile.s32 @!p0 $0x1;
	_ =	shalt  }
.Lfunc_end2:
_tile_overlayer_lowered:
.L_overlay_start_2:
0x6a: {  	(tag) =	ssettag $0x2  }
0x6b: {  	s0 =	rddreg [dreg:$0x0];
	s2 =	stileid.u32  }
0x6c: {  	s1 =	rddreg [dreg:$0x1];
	p0 =	sne.s32 s2, $0x0  }
0x6d: {  	s3 =	rddreg [dreg:$0x2];
	[bflag:$0x3] =	sbarrier.arrive $0xFFFF;
	s2 =	simm.s32 @!p0 $0x1C01  }
0x6e: {  	[timem:s3], [sflag:s2] =	dma.local @!p0 [hbm:s0], s1  }
0x6f: {  	s0 =	simm.s32 @!p0 $0x1  }
0x70: {  	_ =	swait.ge @!p0 [sflag:s0], s1  }
0x71: {  	s1 =	ssub.s32 @!p0 $0x0, s1;
	[sflag:s0] =	ssyncset.done @!p0 $0x0  }
0x72: {  	[sflag:s0] =	ssyncadd.s32 @!p0 s1  }
0x73: {  	[bflag:$0x3] =	sbarrier.arrive $0xFFFF  }
0x74: {  	_ =	shalt  }

// kernel: gather_offload_async_start
scs
__scs_entry_jumppad:
0x0: {  	(pc) =	sbr.rel $0x88, $3  }
0x1: {  	(tag) =	ssettag $0x0;
	lr =	simm.s32 $0x1  }
0x2: {  	[smem:$0x3F9A] =	sst lr;
	_ =	strace $0xD0000000  }
0x3: {  	_ = 	snop  }
0x4: {  	_ = 	snop  }
0x5: {  	_ = 	snop  }
0x6: {  	_ = 	snop  }
0x7: {  	_ = 	snop  }
__scs_overlays_trampoline_lowered:
0x8: {  	[smem:$0x3FA9] =	sst s0  }
0x9: {  	[smem:$0x3FAA] =	sst s1  }
0xa: {  	[smem:$0x3FAB] =	sst s2  }
0xb: {  	[smem:$0x3FAC] =	sst s3  }
0xc: {  	[smem:$0x3FAD] =	sst s4  }
0xd: {  	[smem:$0x3FAE] =	sst s5  }
0xe: {  	[smem:$0x3FAF] =	sst s6  }
0xf: {  	[smem:$0x3FB0] =	sst s7  }
0x10: {  	[smem:$0x3FB1] =	sst s8  }
0x11: {  	[smem:$0x3FB2] =	sst s9;
	s0 =	simm.s32 @!p0 $0x0  }
0x12: {  	s1 =	sld [smem:$0x3F98];
	s0 =	simm.s32 @p0 $0x1  }
0x13: {  	[smem:$0x3FB3] =	sst s0;
	s0 =	simm.s32 @!p1 $0x0  }
0x14: {  	s2 =	sld [smem:$0x3F97];
	s0 =	simm.s32 @p1 $0x1  }
0x15: {  	[smem:$0x3FB4] =	sst s0;
	s0 =	simm.s32 @!p2 $0x0  }
0x16: {  	s3 =	sld [smem:$0x3FDB];
	s0 =	simm.s32 @p2 $0x1  }
0x17: {  	s4 =	simm.s32 $0x1BF5;
	[smem:$0x3FB6] =	sst s0  }
0x18: {  	s0 =	sld [smem:$0x3F99];
	_ =	swait.ge [sflag:s4], $0x0  }
0x19: {  	s7 =	sld [smem:$0x3F9A]  }
0x1a: {  	s8 =	sadd.s32 $0xFFFFE003, lr  }
0x1b: {  	s9 =	sadd.s32 $0xFFFFFEF7, lr;
	s5 =	simm.s32 $0xFFFFFFFF;
	p2 =	slt.u32 s8, $0xFFFFF086  }
0x1c: {  	p1 =	slt.u32 s9, $0xF7A;
	s5 =	simm.s32 @!p2 $0x0  }
0x1d: {  	s5 =	simm.s32 @p1 $0x1;
	p0 =	seq.s32 s7, s2  }
0x1e: {  	s7 =	smul.u32 @!p0 $0xF7A, s2;
	p2 =	seq.s32 @!p0 s5, $0x0  }
0x1f: {  	s9 =	smul.u32 $0xF7A, s1;
	s8 =	simm.s32 @!p0 $0x1BF5;
	p2 =	por !p2, p0  }
0x20: {  	[sflag:s8] =	ssyncset.s32 @!p0 $0xFFFFF086;
	s6 =	sadd.s32 @!p0 s3, s7;
	s7 =	simm.s32 @!p0 $0x108  }
0x21: {  	s3 =	sadd.s32 s3, s9;
	s6 =	sadd.s32 @!p0 $0x88, s6;
	s7 =	simm.s32 @p2 $0x1082  }
0x22: {  	[simem:s7], [sflag:s8] =	dma.local @!p0 [hbm:s6], $0xF7A  }
0x23: {  	s9 =	sor.u32 $0xD0000000, s2;
	s6 =	simm.s32 $0x108;
	_ =	swait.ge @!p0 [sflag:s8], $0x0  }
0x24: {  	s3 =	sadd.s32 $0x88, s3;
	s6 =	simm.s32 @!p1 $0x1082;
	[sflag:s4] =	ssyncset.s32 $0xFFFFF086  }
0x25: {  	[simem:s6], [sflag:s4] =	dma.local [hbm:s3], $0xF7A  }
0x26: {  	[smem:$0x3F9A] =	sst s1;
	(tag) =	ssettag s2;
	_ =	strace s9  }
0x27: {  	s1 =	sld [smem:$0x3FAA]  }
0x28: {  	s2 =	sld [smem:$0x3FAB]  }
0x29: {  	s4 =	sld [smem:$0x3FAD]  }
0x2a: {  	p0 =	seq.s32 s5, $0x0;
	s5 =	sld [smem:$0x3FAE]  }
0x2b: {  	s6 =	sld [smem:$0x3FAF]  }
0x2c: {  	s7 =	sld [smem:$0x3FB0]  }
0x2d: {  	s3 =	simm.s32 $0x108;
	s8 =	sld [smem:$0x3FB1]  }
0x2e: {  	s3 =	simm.s32 @!p0 $0x1082;
	s9 =	sld [smem:$0x3FB2]  }
0x2f: {  	lr =	sadd.s32 s0, s3;
	s0 =	sld [smem:$0x3FA9]  }
0x30: {  	s3 =	sld [smem:$0x3FAC]  }
0x31: {  	[smem:$0x3FB5] =	sst s10  }
0x32: {  	s10 =	sld [smem:$0x3FB3];
	_ =	sdelay $0x3  }
0x33: {  	p0 =	seq.s32 s10, $0x1;
	s10 =	sld [smem:$0x3FB5];
	_ =	sdelay $0x3  }
0x34: {  	[smem:$0x3FB5] =	sst s10  }
0x35: {  	s10 =	sld [smem:$0x3FB4];
	_ =	sdelay $0x3  }
0x36: {  	p1 =	seq.s32 s10, $0x1;
	s10 =	sld [smem:$0x3FB5];
	_ =	sdelay $0x3  }
0x37: {  	[smem:$0x3FB5] =	sst s10  }
0x38: {  	s10 =	sld [smem:$0x3FB6]  }
0x39: {  	_ = 	snop;
	(pc) =	sbr.ind lr, $3  }
0x3a: {  	_ = 	snop  }
0x3b: {  	_ = 	snop  }
0x3c: {  	p2 =	seq.s32 s10, $0x1;
	s10 =	sld [smem:$0x3FB5]  }
0x3d: {  	_ =	shalt  }
0x3e: {  	_ =	shalt  }
0x3f: {  	_ =	shalt  }
0x40: {  	_ =	shalt  }
0x41: {  	_ =	shalt  }
0x42: {  	_ =	shalt  }
0x43: {  	_ =	shalt  }
0x44: {  	_ =	shalt  }
0x45: {  	_ =	shalt  }
0x46: {  	_ =	shalt  }
0x47: {  	_ =	shalt  }
0x48: {  	_ =	shalt  }
0x49: {  	_ =	shalt  }
0x4a: {  	_ =	shalt  }
0x4b: {  	_ =	shalt  }
0x4c: {  	_ =	shalt  }
0x4d: {  	_ =	shalt  }
0x4e: {  	_ =	shalt  }
0x4f: {  	_ =	shalt  }
0x50: {  	_ =	shalt  }
0x51: {  	_ =	shalt  }
0x52: {  	_ =	shalt  }
0x53: {  	_ =	shalt  }
0x54: {  	_ =	shalt  }
0x55: {  	_ =	shalt  }
0x56: {  	_ =	shalt  }
0x57: {  	_ =	shalt  }
0x58: {  	_ =	shalt  }
0x59: {  	_ =	shalt  }
0x5a: {  	_ =	shalt  }
0x5b: {  	_ =	shalt  }
0x5c: {  	_ =	shalt  }
0x5d: {  	_ =	shalt  }
0x5e: {  	_ =	shalt  }
0x5f: {  	_ =	shalt  }
0x60: {  	_ =	shalt  }
0x61: {  	_ =	shalt  }
0x62: {  	_ =	shalt  }
0x63: {  	_ =	shalt  }
0x64: {  	_ =	shalt  }
0x65: {  	_ =	shalt  }
0x66: {  	_ =	shalt  }
0x67: {  	_ =	shalt  }
0x68: {  	_ =	shalt  }
0x69: {  	_ =	shalt  }
0x6a: {  	_ =	shalt  }
0x6b: {  	_ =	shalt  }
0x6c: {  	_ =	shalt  }
0x6d: {  	_ =	shalt  }
0x6e: {  	_ =	shalt  }
0x6f: {  	_ =	shalt  }
0x70: {  	_ =	shalt  }
0x71: {  	_ =	shalt  }
0x72: {  	_ =	shalt  }
0x73: {  	_ =	shalt  }
0x74: {  	_ =	shalt  }
0x75: {  	_ =	shalt  }
0x76: {  	_ =	shalt  }
0x77: {  	_ =	shalt  }
0x78: {  	_ =	shalt  }
0x79: {  	_ =	shalt  }
0x7a: {  	_ =	shalt  }
0x7b: {  	_ =	shalt  }
0x7c: {  	_ =	shalt  }
0x7d: {  	_ =	shalt  }
0x7e: {  	_ =	shalt  }
0x7f: {  	_ =	shalt  }
0x80: {  	_ =	shalt  }
0x81: {  	_ =	shalt  }
0x82: {  	_ =	shalt  }
0x83: {  	_ =	shalt  }
0x84: {  	_ =	shalt  }
0x85: {  	_ =	shalt  }
0x86: {  	_ =	shalt  }
0x87: {  	_ =	shalt  }
.Lfunc_end0:
.L_simem_size_0:
called_computation_lowered:
.L_overlay_start_0:
0x88: {  	s2 =	sld [smem:$0x3FD9]  }
0x89: {  	s3 =	sld [smem:$0x3FFE];
	_ =	sdelay $0x1  }
0x8a: {  	s1 =	srdreg.scid  }
0x8b: {  	s0 =	sand.u32 $0x1, s1  }
0x8c: {  	s17 =	sshll.u32 s0, $0xA;
	s2 =	sadd.s32 s3, s2  }
0x8d: {  	s2 =	sadd.s32 s2, s17  }
0x8e: {  	[smem:$0x3FC1] =	sst s2  }
0x8f: {  	_ = 	snop  }
0x90: {  	s2 =	sld [smem:$0x3FD0];
	(tm) =	ssettm $0x1  }
0x91: {  	s18 =	sld [smem:$0x3FFB];
	_ =	sdelay $0x3  }
0x92: {  	_ =	strace s18  }
0x93: {  	s3 =	sld [smem:$0x3FFC];
	_ =	sdelay $0x3  }
0x94: {  	_ =	strace s3  }
0x95: {  	s3 =	sld [smem:$0x3FFD];
	_ =	sdelay $0x3  }
0x96: {  	_ =	strace s3  }
0x97: {  	_ =	strace $0x8FFFFFFF  }
0x98: {  	s19 =	sld [smem:$0x3FDB];
	_ =	sdelay $0x1  }
0x99: {  	s4 =	simm.s32 $_scs_section_size  }
0x9a: {  	s5 =	simm.s32 $_size__tile_overlayer_lowered;
	s6 =	simm.s32 $_tile_overlayer_lowered  }
0x9b: {  	s22 =	simm.s32 $0x1BFF;
	s21 =	sshll.u32 s6, $0x1;
	s3 =	sadd.s32 s4, s19  }
0x9c: {  	s7 =	simm.s32 $0x0;
	s20 =	sshll.u32 s5, $0x1;
	s5 =	sadd.s32 s21, s3  }
0x9d: {  	[timem:s7], [sflag:s22] =	dma.local [hbm:s5], s20  }
0x9e: {  	_ =	swait.ge [sflag:s22], s20  }
0x9f: {  	s4 =	ssub.s32 $0x0, s20;
	[sflag:s22] =	ssyncset.done $0x0  }
0xa0: {  	[sflag:s22] =	ssyncadd.s32 s4;
	_ =	sdelay $0x1  }
0xa1: {  	s23 =	simm.s32 $0x1B8B  }
0xa2: {  	_ =	swait.ge [sflag:s23], $0x1  }
0xa3: {  	[sflag:s23] =	ssyncset.done $0x0  }
0xa4: {  	s25 =	simm.s32 $0x1B8E;
	s24 =	sld [smem:$0x3FFE];
	[sflag:s23] =	ssyncadd.s32 $0xFFFFFFFF  }
0xa5: {  	s26 =	simm.s32 $execute0_lowered;
	[smem:$0x3FD2] =	sst s25  }
0xa6: {  	s5 =	sshll.u32 s26, $0x1;
	_ =	strace $0x80000046;
	[dreg:$0x1] =	wrdreg $0xFFFFFFFF  }
0xa7: {  	s28 =	simm.s32 $_size_execute0_lowered;
	s3 =	sadd.s32 s3, s5;
	[dreg:$0x0] =	wrdreg $0x0  }
0xa8: {  	s5 =	sshll.u32 s28, $0x1;
	[dreg:$0x2] =	wrdreg s3  }
0xa9: {  	[dreg:$0x3] =	wrdreg s5  }
0xaa: {  	[dreg:$0x4] =	wrdreg $0xC0  }
0xab: {  	_ =	task [dreg:s7], $0x5FFFF  }
0xac: {  	[dreg:$0x1] =	wrdreg $0xFFFFFFFF  }
0xad: {  	[dreg:$0x0] =	wrdreg $0x60  }
0xae: {  	[dreg:$0x2] =	wrdreg s24  }
0xaf: {  	[dreg:$0x3] =	wrdreg s2  }
0xb0: {  	[dreg:$0x4] =	wrdreg $0x9  }
0xb1: {  	_ =	task.clear_ibuf [dreg:s7], $0x5FFFF;
	_ =	strace $0x90000046  }
0xb2: {  	s29 =	simm.s32 $0x9;
	_ =	strace $0x80000048  }
0xb3: {  	_ =	swait.ge [sflag:s29], $0x1  }
0xb4: {  	[sflag:s29] =	ssyncadd.s32 $0xFFFFFFFF  }
0xb5: {  	_ =	strace $0x90000048  }
0xb6: {  	_ =	sfence  }
0xb7: {  	s30 =	sld [smem:$0x0];
	_ =	sdelay $0x2  }
0xb8: {  	s31 =	sshll.u32 s1, $0xD;
	s1 =	sshrl.u32 s1, $0x2  }
0xb9: {  	s3 =	sand.u32 $0x4000, s31;
	s1 =	sadd.s32 s1, s30  }
0xba: {  	s0 =	sor.u32 s3, s0;
	s1 =	sshll.u32 s1, $0x11  }
0xbb: {  	s0 =	sor.u32 s1, s0  }
0xbc: {  	s0 =	sadd.s32 $0x8F2B, s0  }
0xbd: {  	[sflag:s0] =	ssyncadd.remote.s32 $0x1  }
0xbe: {  	_ =	sfence.sel $0xFFFF  }
0xbf: {  	[dreg:$0x0] =	wrdreg $0xFFFFFFFF;
	(pc) =	sbr.abs _section_cstart, $3  }
0xc0: {  	[dreg:$0x1] =	wrdreg $0xFFFFFFFF  }
0xc1: {  	_ =	task.clear_ibuf [dreg:s7], $0x2FFFF;
	_ =	strace $0x9FFFFFFF  }
0xc2: {  	(tm) =	ssettm $0x7FFFFFFF  }
0xc3: {  	_ =	shalt  }
tec
execute0_lowered:
.L_overlay_start_1:
0x0: {  	(tag) =	ssettag $0x1  }
0x1: {  	s0 =	srdreg.scid  }
0x2: {  	s1 =	sshll.u32 s0, $0x4  }
0x3: {  	s0 =	stileid.u32;
	s1 =	sand.u32 $0x10, s1  }
0x4: {  	s2 =	sor.u32 s0, s1  }
0x5: {  	s1 =	smin.u32 s2, $0x12  }
0x6: {  	s1 =	sadd.s32 s2, s1  }
0x7: {  	p0 =	slt.u32 s2, $0x12;
	s2 =	simm.s32 $0xA0;
	s1 =	smul.u32 $0x50, s1  }
0x8: {  	s2 =	simm.s32 @!p0 $0x50  }
0x9: {  	s2 =	sadd.s32 s2, s1  }
0xa: {  	s3 =	smin.u32 s2, $0xFA0  }
0xb: {  	s7 =	ssub.s32 s3, s1  }
0xc: {  	p0 =	sgt.s32 s7, $0x0  }
0xd: {  	s7 =	simm.s32 @!p0 $0x0  }
0xe: {  	s4 =	rddreg [dreg:$0x0];
	s31 =	smul.u32 $0xCCCD, s7  }
0xf: {  	s5 =	rddreg [dreg:$0x1]  }
0x10: {  	s6 =	simm.s32 $0x1;
	s10 =	simm.s32 $0x3;
	s8 =	sshrl.u32 s31, $0x16  }
0x11: {  	s13 =	simm.s32 $0x0;
	s12 =	simm.s32 $0x0;
	s9 =	smul.u32 $0x50, s8  }
.Ltmp0:
0x12: {  	s11 =	smov.u32 s1;
	s2 =	rddreg [dreg:$0x2];
	(pc) =	sbr.rel .LBB2_1-.Ltmp0, $4  }
0x13: {  	_ =	strace $0x80000047;
	p0 =	sne.s32 s7, s9;
	s9 =	simm.s32 $0x1  }
0x14: {  	[sflag:s6] =	ssyncpa.u1 $0x0;
	s7 =	simm.s32 $0x2;
	s9 =	simm.s32 @!p0 $0x0  }
0x15: {  	[sflag:s7] =	ssyncpa.u1 $0x0;
	p0 =	por $0x0, $0x0;
	s8 =	sadd.s32 s8, s9  }
0x16: {  	v0 =	vimm.s32 $0x0;
	vm0 =	vmmov $0xff;
	vm1 =	vcmask $0x3F20;
	s9 =	sadd.s32 $0x120000, s4;
	[sflag:s10] =	ssyncpa.u1 $0x0;
	s10 =	sadd.s32 $0x1, s8  }
.LBB2_6:
0x17: {  	[hbm:s17] =	stream.linear.scatter [tilespmem:s14], [sflag:$0x3], $0x400, $0x38;
	[tilespmem:$0x50A0] =	vst v63  }
.LBB2_7:
0x18: {  	s13 =	sadd.s32 $0x50, s11  }
0x19: {  	s15 =	smov.u32 s1;
	p2 =	slt.s32 s13, s3  }
0x1a: {  	s15 =	smov.u32 @p2 s13;
	p2 =	sne.s32 s12, s10  }
.Ltmp1:
0x1b: {  	p1 =	slt.u32 s12, $0x2;
	(pc) =	sbr.rel @!p2 .LBB2_8-.Ltmp1, $4  }
0x1c: {  	s14 =	simm.s32 @!p1 $0x3  }
0x1d: {  	s16 =	sadd.s32 $0x1, s12;
	_ =	swait.ge @!p1 [sflag:s14], $0x2800  }
0x1e: {  	p0 =	por !p0, !p0;
	s13 =	smov.u32 s11;
	[sflag:s14] =	ssyncset.done @!p1 $0x0  }
0x1f: {  	s12 =	smov.u32 s16;
	s11 =	smov.u32 s15;
	[sflag:s14] =	ssyncadd.s32 @!p1 $0xFFFFD800  }
.LBB2_1:
0x20: {  	p1 =	sge.u32 s12, s8  }
0x21: {  	s14 =	sxor.u32 @!p1 $0xFFFFFFFF, s12  }
0x22: {  	s14 =	sand.u32 @!p1 $0x1, s14  }
0x23: {  	s14 =	smul.u32 @!p1 $0x140, s14  }
0x24: {  	s31 =	sadd.s32 $0xFFFFFFFF, s12;
	s15 =	sshrl.u32 @!p1 s11, $0x3  }
0x25: {  	s16 =	sand.u32 @!p1 $0x7, s11;
	s15 =	sadd.s32 @!p1 s5, s15;
	s14 =	sshrl.u32 @!p1 s14, $0x2  }
0x26: {  	[tilespmem:s14], [sflag:$0x2] =	stream.linear.gather @!p1 [hbm4b:s15+s16], $0x50, $0x38;
	[tilespmem:$0x50A0] =	vst v63  }
0x27: {  	p1 =	sge.u32 s31, s8  }
.Ltmp2:
0x28: {  	_ = 	snop;
	(pc) =	sbr.rel @p1 .LBB2_7-.Ltmp2, $1  }
0x29: {  	_ =	sdelay $0x3  }
0x2a: {  	s14 =	simm.s32 $0x1  }
0x2b: {  	s14 =	simm.s32 @!p0 $0x0  }
0x2c: {  	s15 =	smul.u32 $0x140, s14  }
0x2d: {  	_ =	swait.ge [sflag:s7], $0x50  }
0x2e: {  	[sflag:s7] =	ssyncset.done $0x0;
	s16 =	sshrl.u32 s15, $0x2  }
0x2f: {  	[sflag:s7] =	ssyncadd.s32 $0xFFFFFFB0;
	s15 =	sadd.s32 $0x0, s16  }
0x30: {  	v1 =	vld.msk [tilespmem:s15+$0x0 ss:$0x1], $0xffff;
	_ =	sdelay $0x4  }
0x31: {  	v2 =	vand.u32 $0x1, v1;
	v3 =	vshll.u32 v1, $0x6  }
0x32: {  	vm2 =	veq.s32 v1, $0x80000000;
	vm3 =	veq.s32 v2, $0x1;
	v1 =	vand.u32 $0x7FFF80, v3  }
0x33: {  	v2 =	vsel vm3, $0x480000, v0;
	v1 =	vsel vm2, $0xFFFFFF80, v1  }
0x34: {  	v2 =	vsel vm2, $0xFFB80000, v2;
	v3 =	vand.u32 $0xFFFFFC00, v1  }
0x35: {  	v1 =	vand.u32 $0x380, v1;
	v2 =	vadd.s32 v2, v3  }
0x36: {  	v1 =	vor.u32 v1, v2  }
0x37: {  	v1 =	vshrl.u32 v1, $0x3  }
0x38: {  	s14 =	smul.u32 $0xA000, s14;
	_ =	sdelay $0x1  }
0x39: {  	s14 =	sshrl.u32 s14, $0x2  }
0x3a: {  	s14 =	sor.u32 $0xA0, s14  }
0x3b: {  	[tilespmem:s14], [sflag:$0x1] =	stream.indirect_vreg.gather [hbm:s4], $0x80, v1, vm0, $0x38;
	[tilespmem:$0x50A0] =	vst v63  }
0x3c: {  	s17 =	sadd.s32 $0x10, s16;
	s15 =	sadd.s32 $0x400, s14  }
0x3d: {  	[tilespmem:s15], [sflag:$0x1] =	stream.indirect_vreg.gather [hbm:s4], $0x80, v1, vm1, $0x38;
	[tilespmem:$0x50A0] =	vst v63  }
0x3e: {  	s18 =	simm.s32 $0x80;
	v1 =	vld.msk [tilespmem:s17+$0x0 ss:$0x1], $0xffff;
	s17 =	smov.u32 s14  }
.LBB2_3:
0x3f: {  	p1 =	sne.s32 s18, $0x100;
	_ =	sdelay $0x4  }
0x40: {  	v2 =	vand.u32 $0x1, v1;
	v3 =	vshll.u32 v1, $0x6  }
0x41: {  	vm2 =	veq.s32 v1, $0x80000000;
	vm3 =	veq.s32 v2, $0x1;
	v1 =	vand.u32 $0x7FFF80, v3  }
0x42: {  	v2 =	vsel vm3, $0x480000, v0;
	v1 =	vsel vm2, $0xFFFFFF80, v1  }
0x43: {  	v2 =	vsel vm2, $0xFFB80000, v2;
	v3 =	vand.u32 $0xFFFFFC00, v1  }
0x44: {  	v1 =	vand.u32 $0x380, v1;
	v2 =	vadd.s32 v2, v3  }
0x45: {  	v1 =	vor.u32 v1, v2  }
0x46: {  	v1 =	vshrl.u32 v1, $0x3;
	_ =	sdelay $0x3  }
.Ltmp3:
0x47: {  	s19 =	sshra.s32 s18, $0x2;
	s17 =	sadd.s32 $0x800, s17;
	(pc) =	sbr.rel @p1 .LBB2_3-.Ltmp3, $4  }
0x48: {  	[tilespmem:s17], [sflag:$0x1] =	stream.indirect_vreg.gather [hbm:s4], $0x80, v1, vm0, $0x38;
	[tilespmem:$0x50A0] =	vst v63  }
0x49: {  	s19 =	sadd.s32 s19, s16;
	s20 =	sadd.s32 $0x400, s17  }
0x4a: {  	[tilespmem:s20], [sflag:$0x1] =	stream.indirect_vreg.gather [hbm:s4], $0x80, v1, vm1, $0x38;
	[tilespmem:$0x50A0] =	vst v63  }
0x4b: {  	s18 =	sadd.s32 $0x40, s18;
	v1 =	vld.msk [tilespmem:s19+$0x0 ss:$0x1], $0xffff  }
0x4c: {  	_ =	sdelay $0x3  }
0x4d: {  	v2 =	vand.u32 $0x1, v1;
	v3 =	vshll.u32 v1, $0x6  }
0x4e: {  	vm2 =	veq.s32 v1, $0x80000000;
	vm3 =	veq.s32 v2, $0x1;
	v1 =	vand.u32 $0x7FFF80, v3  }
0x4f: {  	v2 =	vsel vm3, $0x480000, v0;
	v1 =	vsel vm2, $0xFFFFFF80, v1  }
0x50: {  	v2 =	vsel vm2, $0xFFB80000, v2;
	v3 =	vand.u32 $0xFFFFFC00, v1  }
0x51: {  	v1 =	vand.u32 $0x380, v1;
	v2 =	vadd.s32 v2, v3  }
0x52: {  	v1 =	vor.u32 v1, v2  }
0x53: {  	v1 =	vshrl.u32 v1, $0x3;
	_ =	sdelay $0x3  }
0x54: {  	s16 =	sadd.s32 $0x800, s17  }
0x55: {  	[tilespmem:s16], [sflag:$0x1] =	stream.indirect_vreg.gather [hbm:s4], $0x80, v1, vm0, $0x38;
	[tilespmem:$0x50A0] =	vst v63  }
0x56: {  	s16 =	sadd.s32 $0x400, s16  }
0x57: {  	[tilespmem:s16], [sflag:$0x1] =	stream.indirect_vreg.gather [hbm:s4], $0x80, v1, vm1, $0x38;
	[tilespmem:$0x50A0] =	vst v63  }
0x58: {  	s13 =	sshll.u32 s13, $0x4;
	_ =	swait.ge [sflag:s6], $0x2800  }
0x59: {  	s13 =	sadd.s32 s13, s9;
	[sflag:s6] =	ssyncset.done $0x0  }
0x5a: {  	s17 =	sadd.s32 $0x0, s13;
	s16 =	simm.s32 $0x80;
	[sflag:s6] =	ssyncadd.s32 $0xFFFFD800  }
.LBB2_5:
0x5b: {  	[hbm:s17] =	stream.linear.scatter [tilespmem:s14], [sflag:$0x3], $0x400, $0x38;
	[tilespmem:$0x50A0] =	vst v63  }
0x5c: {  	s17 =	smov.u32 s16;
	s14 =	smov.u32 s15;
	p1 =	sne.s32 s16, $0x480  }
.Ltmp4:
0x5d: {  	s16 =	sadd.s32 $0x80, s16;
	(pc) =	sbr.rel @p1 .LBB2_5-.Ltmp4, $2  }
0x5e: {  	_ =	sdelay $0x2  }
0x5f: {  	s15 =	sadd.s32 $0x400, s15;
	s17 =	sadd.s32 s17, s13  }
.Ltmp5:
0x60: {  	_ = 	snop;
	(pc) =	sbr.rel .LBB2_6-.Ltmp5, $1  }
0x61: {  	_ =	sdelay $0x3  }
.LBB2_8:
0x62: {  	_ =	sfence.sel $0x180000  }
0x63: {  	s1 =	simm.s32 $0x2;
	[bflag:$0x0] =	sbarrier.arrive $0xFFFF  }
0x64: {  	s30 =	simm.s32 $0x3;
	[sflag:s1] =	ssyncpa.u1 $0x1  }
0x65: {  	s31 =	simm.s32 $0x1;
	[sflag:s30] =	ssyncpa.u1 $0x1  }
0x66: {  	[sflag:s31] =	ssyncpa.u1 $0x1  }
0x67: {  	p0 =	sne.s32 s0, $0x0;
	_ =	strace $0x90000047  }
0x68: {  	s0 =	sadd.s32 @!p0 $0x100000, s2;
	[bflag:$0x2] =	sbarrier.arrive $0xFFFF  }
0x69: {  	[sflag:s0] =	ssyncadd.tile.s32 @!p0 $0x1;
	_ =	shalt  }
.Lfunc_end2:
_tile_overlayer_lowered:
.L_overlay_start_2:
0x6a: {  	(tag) =	ssettag $0x2  }
0x6b: {  	s0 =	rddreg [dreg:$0x0];
	s2 =	stileid.u32  }
0x6c: {  	s1 =	rddreg [dreg:$0x1];
	p0 =	sne.s32 s2, $0x0  }
0x6d: {  	s3 =	rddreg [dreg:$0x2];
	[bflag:$0x3] =	sbarrier.arrive $0xFFFF;
	s2 =	simm.s32 @!p0 $0x1C01  }
0x6e: {  	[timem:s3], [sflag:s2] =	dma.local @!p0 [hbm:s0], s1  }
0x6f: {  	s0 =	simm.s32 @!p0 $0x1  }
0x70: {  	_ =	swait.ge @!p0 [sflag:s0], s1  }
0x71: {  	s1 =	ssub.s32 @!p0 $0x0, s1;
	[sflag:s0] =	ssyncset.done @!p0 $0x0  }
0x72: {  	[sflag:s0] =	ssyncadd.s32 @!p0 s1  }
0x73: {  	[bflag:$0x3] =	sbarrier.arrive $0xFFFF  }
0x74: {  	_ =	shalt  }

</sc_bundles>
